<compile_context>
chip_gen: v7x
topology: tpu7x:2x2x1
jax: 0.10.2.dev20260603
libtpu: 0.0.44.dev20260713+nightly
codegen_flags: <defaults>
</compile_context>

<pallas_src>
import math
import jax
import jax.numpy as jnp
from jax.experimental import pallas as pl



def _group_norm(x, g, b, eps=1e-5):
    C = x.shape[-1]
    G = max(1, C // 8)
    xr = x.reshape(x.shape[:-1] + (G, C // G))
    mean = jnp.mean(xr, axis=-1, keepdims=True)
    var = jnp.var(xr, axis=-1, keepdims=True)
    xr = (xr - mean) * jax.lax.rsqrt(var + eps)
    return xr.reshape(x.shape) * g + b


def _apply_mlp(layers, x):
    for L in layers:
        x = jax.nn.relu(x @ L["W"] + L["b"])
        x = _group_norm(x, L["g"], L["be"])
    return x


def _fps(pos, M):
    def single(p):
        d = jnp.sum((p - p[0]) ** 2, axis=-1)
        idx0 = jnp.zeros((M,), dtype=jnp.int32)

        def body(i, carry):
            d, idx = carry
            nxt = jnp.argmax(d).astype(jnp.int32)
            idx = idx.at[i].set(nxt)
            d = jnp.minimum(d, jnp.sum((p - p[nxt]) ** 2, axis=-1))
            return (d, idx)

        _, idx = jax.lax.fori_loop(1, M, body, (d, idx0))
        return idx

    return jax.vmap(single)(pos)


def _gather(a, idx):
    return jnp.take_along_axis(a, idx[:, :, None], axis=1)


def _sa_module(x, pos, ratio, r, layers, K=64):
    Bn, Np, _ = pos.shape
    M = int(math.ceil(ratio * Np))
    idx = _fps(jax.lax.stop_gradient(pos), M)
    centers = _gather(pos, idx)
    d2 = jnp.sum((centers[:, :, None, :] - pos[:, None, :, :]) ** 2, axis=-1)
    kk = min(K, Np)
    neg, nbr = jax.lax.top_k(jnp.where(d2 <= r * r, -d2, -jnp.inf), kk)
    valid = neg > -jnp.inf
    nbr = jnp.where(valid, nbr, 0)
    x_nbr = _gather(x, nbr.reshape(Bn, M * kk)).reshape(Bn, M, kk, x.shape[-1])
    p_nbr = _gather(pos, nbr.reshape(Bn, M * kk)).reshape(Bn, M, kk, 3)
    h = _apply_mlp(layers, jnp.concatenate([x_nbr, p_nbr - centers[:, :, None, :]], axis=-1))
    h = jnp.where(valid[..., None], h, -jnp.inf)
    return jnp.max(h, axis=2), centers


def _knn_interpolate(x, pos, pos_skip, k):
    Bn, M, C = x.shape
    Np = pos_skip.shape[1]
    d2 = jnp.sum((pos_skip[:, :, None, :] - pos[:, None, :, :]) ** 2, axis=-1)
    kk = min(k, M)
    neg, idx = jax.lax.top_k(-d2, kk)
    w = 1.0 / jnp.maximum(-neg, 1e-16)
    w = w / jnp.sum(w, axis=-1, keepdims=True)
    xk = _gather(x, idx.reshape(Bn, Np * kk)).reshape(Bn, Np, kk, C)
    return jnp.sum(w[..., None] * xk, axis=2)



def _head_kernel(f_ref, w1_ref, b1_ref, w2_ref, b2_ref, w3_ref, b3_ref, out_ref):
    f = f_ref[...]
    h = jnp.maximum(jnp.dot(f, w1_ref[...], preferred_element_type=jnp.float32) + b1_ref[...], 0.0)
    h = jnp.dot(h, w2_ref[...], preferred_element_type=jnp.float32) + b2_ref[...]
    h = jnp.dot(h, w3_ref[...], preferred_element_type=jnp.float32) + b3_ref[...]
    m = jnp.max(h, axis=-1, keepdims=True)
    s = h - m
    lse = jnp.log(jnp.sum(jnp.exp(s), axis=-1, keepdims=True))
    out_ref[...] = s - lse


def _head(f1, params):
    Bn, Np, C = f1.shape
    f = f1.reshape(Bn * Np, C)
    R = Bn * Np
    BLK = 2048
    nc = params["lin3"]["W"].shape[1]
    out = pl.pallas_call(
        _head_kernel,
        grid=(R // BLK,),
        in_specs=[
            pl.BlockSpec((BLK, C), lambda i: (i, 0)),
            pl.BlockSpec((C, 128), lambda i: (0, 0)),
            pl.BlockSpec((128,), lambda i: (0,)),
            pl.BlockSpec((128, 128), lambda i: (0, 0)),
            pl.BlockSpec((128,), lambda i: (0,)),
            pl.BlockSpec((128, nc), lambda i: (0, 0)),
            pl.BlockSpec((nc,), lambda i: (0,)),
        ],
        out_specs=pl.BlockSpec((BLK, nc), lambda i: (i, 0)),
        out_shape=jax.ShapeDtypeStruct((R, nc), jnp.float32),
    )(f, params["lin1"]["W"], params["lin1"]["b"], params["lin2"]["W"],
      params["lin2"]["b"], params["lin3"]["W"], params["lin3"]["b"])
    return out.reshape(Bn, Np, nc)



def kernel(x, input_pts, output_pts, params):
    x1, pos1 = _sa_module(x, input_pts, 0.2, 0.2, params["sa1"])
    x2, pos2 = _sa_module(x1, pos1, 0.25, 0.4, params["sa2"])
    h3 = _apply_mlp(params["sa3"], jnp.concatenate([x2, pos2], axis=-1))
    x3 = jnp.max(h3, axis=1, keepdims=True)
    pos3 = jnp.zeros((x.shape[0], 1, 3), jnp.float32)
    f3 = _apply_mlp(params["fp3"], jnp.concatenate([_knn_interpolate(x3, pos3, pos2, 1), x2], axis=-1))
    f2 = _apply_mlp(params["fp2"], jnp.concatenate([_knn_interpolate(f3, pos2, pos1, 3), x1], axis=-1))
    f1 = _apply_mlp(params["fp1"], _knn_interpolate(f2, pos1, output_pts, 3))
    return _head(f1, params)

# --- scband reference (transcript-rebuilt; emitter-appended) ---
"""Pipeline reference for scband-point-net2-76544907149654 (READ-ONLY COPY).

The authoritative reference and input builder live on the scoring server;
editing this copy changes nothing except your own understanding.
"""

import jax, jax.numpy as jnp
import numpy as np
import math

B = 4
N = 4096
NUM_CLASSES = 13
NUM_FEATURES = 6

def _mlp_params(key, channels):
    layers = []
    for i in range(1, len(channels)):
        key, k1, k2 = jax.random.split(key, 3)
        lim = 1.0 / np.sqrt(channels[i - 1])
        layers.append({
            "W": jax.random.uniform(k1, (channels[i - 1], channels[i]), jnp.float32, -lim, lim),
            "b": jax.random.uniform(k2, (channels[i],), jnp.float32, -lim, lim),
            "g": jnp.ones((channels[i],), jnp.float32),
            "be": jnp.zeros((channels[i],), jnp.float32),
        })
    return layers, key

def _lin_params(key, fi, fo):
    key, k1, k2 = jax.random.split(key, 3)
    lim = 1.0 / np.sqrt(fi)
    return {"W": jax.random.uniform(k1, (fi, fo), jnp.float32, -lim, lim),
            "b": jax.random.uniform(k2, (fo,), jnp.float32, -lim, lim)}, key

def setup_inputs(seed: int = 0):
    key = jax.random.key(seed)
    ks = jax.random.split(key, 4)
    x = jax.random.normal(ks[0], (B, N, NUM_FEATURES), dtype=jnp.float32)
    input_pts = jax.random.uniform(ks[1], (B, N, 3), dtype=jnp.float32)
    output_pts = jax.random.uniform(ks[2], (B, N, 3), dtype=jnp.float32)
    pk = ks[3]
    params = {}
    params["sa1"], pk = _mlp_params(pk, [NUM_FEATURES + 3, 64, 64, 128])
    params["sa2"], pk = _mlp_params(pk, [128 + 3, 128, 128, 256])
    params["sa3"], pk = _mlp_params(pk, [256 + 3, 256, 512, 1024])
    params["fp3"], pk = _mlp_params(pk, [1024 + 256, 256, 256])
    params["fp2"], pk = _mlp_params(pk, [256 + 128, 256, 128])
    params["fp1"], pk = _mlp_params(pk, [128, 128, 128, 128])
    params["lin1"], pk = _lin_params(pk, 128, 128)
    params["lin2"], pk = _lin_params(pk, 128, 128)
    params["lin3"], pk = _lin_params(pk, 128, NUM_CLASSES)
    return {"x": x, "input_pts": input_pts, "output_pts": output_pts, "params": params}

def _group_norm(x, g, b, eps=1e-5):
    C = x.shape[-1]
    G = max(1, C // 8)
    xr = x.reshape(x.shape[:-1] + (G, C // G))
    mean = jnp.mean(xr, axis=-1, keepdims=True)
    var = jnp.var(xr, axis=-1, keepdims=True)
    xr = (xr - mean) * jax.lax.rsqrt(var + eps)
    return xr.reshape(x.shape) * g + b

def _apply_mlp(layers, x):
    for L in layers:
        x = jax.nn.relu(x @ L["W"] + L["b"])
        x = _group_norm(x, L["g"], L["be"])
    return x

def _fps(pos, M):
    def single(p):
        d = jnp.sum((p - p[0]) ** 2, axis=-1)
        idx0 = jnp.zeros((M,), dtype=jnp.int32)
        def body(i, carry):
            d, idx = carry
            nxt = jnp.argmax(d).astype(jnp.int32)
            idx = idx.at[i].set(nxt)
            d = jnp.minimum(d, jnp.sum((p - p[nxt]) ** 2, axis=-1))
            return (d, idx)
        _, idx = jax.lax.fori_loop(1, M, body, (d, idx0))
        return idx
    return jax.vmap(single)(pos)

def _gather(a, idx):
    return jnp.take_along_axis(a, idx[:, :, None], axis=1)

def _sa_module(x, pos, ratio, r, layers, K=64):
    Bn, Np, _ = pos.shape
    M = int(math.ceil(ratio * Np))
    idx = _fps(jax.lax.stop_gradient(pos), M)
    centers = _gather(pos, idx)
    d2 = jnp.sum((centers[:, :, None, :] - pos[:, None, :, :]) ** 2, axis=-1)
    kk = min(K, Np)
    neg, nbr = jax.lax.top_k(jnp.where(d2 <= r * r, -d2, -jnp.inf), kk)
    valid = neg > -jnp.inf
    nbr = jnp.where(valid, nbr, 0)
    x_nbr = _gather(x, nbr.reshape(Bn, M * kk)).reshape(Bn, M, kk, x.shape[-1])
    p_nbr = _gather(pos, nbr.reshape(Bn, M * kk)).reshape(Bn, M, kk, 3)
    h = _apply_mlp(layers, jnp.concatenate([x_nbr, p_nbr - centers[:, :, None, :]], axis=-1))
    h = jnp.where(valid[..., None], h, -jnp.inf)
    return jnp.max(h, axis=2), centers

def _knn_interpolate(x, pos, pos_skip, k):
    Bn, M, C = x.shape
    Np = pos_skip.shape[1]
    d2 = jnp.sum((pos_skip[:, :, None, :] - pos[:, None, :, :]) ** 2, axis=-1)
    kk = min(k, M)
    neg, idx = jax.lax.top_k(-d2, kk)
    w = 1.0 / jnp.maximum(-neg, 1e-16)
    w = w / jnp.sum(w, axis=-1, keepdims=True)
    xk = _gather(x, idx.reshape(Bn, Np * kk)).reshape(Bn, Np, kk, C)
    return jnp.sum(w[..., None] * xk, axis=2)

def _pointnet2(x, input_pts, output_pts, params):
    x1, pos1 = _sa_module(x, input_pts, 0.2, 0.2, params["sa1"])
    x2, pos2 = _sa_module(x1, pos1, 0.25, 0.4, params["sa2"])
    h3 = _apply_mlp(params["sa3"], jnp.concatenate([x2, pos2], axis=-1))
    x3 = jnp.max(h3, axis=1, keepdims=True)
    pos3 = jnp.zeros((x.shape[0], 1, 3), jnp.float32)
    f3 = _apply_mlp(params["fp3"], jnp.concatenate([_knn_interpolate(x3, pos3, pos2, 1), x2], axis=-1))
    f2 = _apply_mlp(params["fp2"], jnp.concatenate([_knn_interpolate(f3, pos2, pos1, 3), x1], axis=-1))
    f1 = _apply_mlp(params["fp1"], _knn_interpolate(f2, pos1, output_pts, 3))
    h = jax.nn.relu(f1 @ params["lin1"]["W"] + params["lin1"]["b"])
    h = h @ params["lin2"]["W"] + params["lin2"]["b"]
    h = h @ params["lin3"]["W"] + params["lin3"]["b"]
    return jax.nn.log_softmax(h, axis=-1)

def reference(x, input_pts, output_pts, params):
    return _pointnet2(x, input_pts, output_pts, params)

if __name__ == "__main__":
    import jax
    _d = setup_inputs()
    print(jax.jit(kernel)(*tuple(_d.values())))

</pallas_src>

<mosaic_0001>
module attributes {stable_mosaic.version = 14 : i64} {
  func.func @_head_kernel(%arg0: i32, %arg1: memref<2048x128xf32, #tpu.memory_space<vmem>>, %arg2: memref<128x128xf32, #tpu.memory_space<vmem>>, %arg3: memref<128xf32, #tpu.memory_space<vmem>>, %arg4: memref<128x128xf32, #tpu.memory_space<vmem>>, %arg5: memref<128xf32, #tpu.memory_space<vmem>>, %arg6: memref<128x13xf32, #tpu.memory_space<vmem>>, %arg7: memref<13xf32, #tpu.memory_space<vmem>>, %arg8: memref<2048x13xf32, #tpu.memory_space<vmem>>) attributes {dimension_semantics = [#tpu.dimension_semantics<arbitrary>], iteration_bounds = array<i64: 8>, scalar_prefetch = 0 : i64, scratch_operands = 0 : i64, tpu.core_type = #tpu.core_type<tc>, window_params = [{transform_indices = @transform_0, window_bounds = array<i64: 2048, 128>}, {pipeline_mode = #tpu.pipeline_mode<synchronous>, transform_indices = @transform_1, window_bounds = array<i64: 128, 128>}, {pipeline_mode = #tpu.pipeline_mode<synchronous>, transform_indices = @transform_2, window_bounds = array<i64: 128>}, {pipeline_mode = #tpu.pipeline_mode<synchronous>, transform_indices = @transform_3, window_bounds = array<i64: 128, 128>}, {pipeline_mode = #tpu.pipeline_mode<synchronous>, transform_indices = @transform_4, window_bounds = array<i64: 128>}, {pipeline_mode = #tpu.pipeline_mode<synchronous>, transform_indices = @transform_5, window_bounds = array<i64: 128, 13>}, {pipeline_mode = #tpu.pipeline_mode<synchronous>, transform_indices = @transform_6, window_bounds = array<i64: 13>}, {transform_indices = @transform_7, window_bounds = array<i64: 2048, 13>}]} {
    %get3A = arith.constant 0 : index
    %get3A_0 = arith.constant 0 : index
    %get3A_1 = vector.load %arg1[%get3A, %get3A_0] : memref<2048x128xf32, #tpu.memory_space<vmem>>, vector<2048x128xf32>
    %get3A_2 = arith.constant 0 : index
    %get3A_3 = arith.constant 0 : index
    %get3A_4 = vector.load %arg2[%get3A_2, %get3A_3] : memref<128x128xf32, #tpu.memory_space<vmem>>, vector<128x128xf32>
    %dot_general3A = arith.constant dense<0.000000e+00> : vector<2048x128xf32>
    %dot_general3A_5 = tpu.matmul %get3A_1, %get3A_4, %dot_general3A {dimension_numbers = #tpu.dot_dimension_numbers<[1], [0], [0], [1], [0, 0, 1, 1], [], []>, transpose_lhs_hint = false} : vector<2048x128xf32>, vector<128x128xf32>, vector<2048x128xf32> -> vector<2048x128xf32>
    %get3A_6 = arith.constant 0 : index
    %get3A_7 = vector.load %arg3[%get3A_6] : memref<128xf32, #tpu.memory_space<vmem>>, vector<128xf32>
    %broadcast_in_dim3A = vector.shape_cast %get3A_7 : vector<128xf32> to vector<1x128xf32>
    %add3A = vector.broadcast %broadcast_in_dim3A : vector<1x128xf32> to vector<2048x128xf32>
    %add3A_8 = arith.addf %dot_general3A_5, %add3A : vector<2048x128xf32>
    %max3A = arith.constant 0.000000e+00 : f32
    %max3A_9 = vector.broadcast %max3A : f32 to vector<2048x128xf32>
    %max3A_10 = arith.maximumf %add3A_8, %max3A_9 : vector<2048x128xf32>
    %get3A_11 = arith.constant 0 : index
    %get3A_12 = arith.constant 0 : index
    %get3A_13 = vector.load %arg4[%get3A_11, %get3A_12] : memref<128x128xf32, #tpu.memory_space<vmem>>, vector<128x128xf32>
    %dot_general3A_14 = arith.constant dense<0.000000e+00> : vector<2048x128xf32>
    %dot_general3A_15 = tpu.matmul %max3A_10, %get3A_13, %dot_general3A_14 {dimension_numbers = #tpu.dot_dimension_numbers<[1], [0], [0], [1], [0, 0, 1, 1], [], []>, transpose_lhs_hint = false} : vector<2048x128xf32>, vector<128x128xf32>, vector<2048x128xf32> -> vector<2048x128xf32>
    %get3A_16 = arith.constant 0 : index
    %get3A_17 = vector.load %arg5[%get3A_16] : memref<128xf32, #tpu.memory_space<vmem>>, vector<128xf32>
    %broadcast_in_dim3A_18 = vector.shape_cast %get3A_17 : vector<128xf32> to vector<1x128xf32>
    %add3A_19 = vector.broadcast %broadcast_in_dim3A_18 : vector<1x128xf32> to vector<2048x128xf32>
    %add3A_20 = arith.addf %dot_general3A_15, %add3A_19 : vector<2048x128xf32>
    %get3A_21 = arith.constant 0 : index
    %get3A_22 = arith.constant 0 : index
    %get3A_23 = vector.load %arg6[%get3A_21, %get3A_22] : memref<128x13xf32, #tpu.memory_space<vmem>>, vector<128x13xf32>
    %dot_general3A_24 = arith.constant dense<0.000000e+00> : vector<2048x13xf32>
    %dot_general3A_25 = tpu.matmul %add3A_20, %get3A_23, %dot_general3A_24 {dimension_numbers = #tpu.dot_dimension_numbers<[1], [0], [0], [1], [0, 0, 1, 1], [], []>, transpose_lhs_hint = false} : vector<2048x128xf32>, vector<128x13xf32>, vector<2048x13xf32> -> vector<2048x13xf32>
    %get3A_26 = arith.constant 0 : index
    %get3A_27 = vector.load %arg7[%get3A_26] : memref<13xf32, #tpu.memory_space<vmem>>, vector<13xf32>
    %broadcast_in_dim3A_28 = vector.shape_cast %get3A_27 : vector<13xf32> to vector<1x13xf32>
    %add3A_29 = vector.broadcast %broadcast_in_dim3A_28 : vector<1x13xf32> to vector<2048x13xf32>
    %add3A_30 = arith.addf %dot_general3A_25, %add3A_29 : vector<2048x13xf32>
    %reduce_max3A = arith.constant dense<0xFF800000> : vector<2048xf32>
    %reduce_max3A_31 = vector.multi_reduction <maximumf>, %add3A_30, %reduce_max3A [1] : vector<2048x13xf32> to vector<2048xf32>
    %broadcast_in_dim3A_32 = vector.shape_cast %reduce_max3A_31 : vector<2048xf32> to vector<2048x1xf32>
    %sub3A = vector.broadcast %broadcast_in_dim3A_32 : vector<2048x1xf32> to vector<2048x13xf32>
    %sub3A_33 = arith.subf %add3A_30, %sub3A : vector<2048x13xf32>
    %exp3A = math.exp %sub3A_33 : vector<2048x13xf32>
    %reduce_sum3A = arith.constant dense<0.000000e+00> : vector<2048xf32>
    %reduce_sum3A_34 = vector.multi_reduction <add>, %exp3A, %reduce_sum3A [1] : vector<2048x13xf32> to vector<2048xf32>
    %broadcast_in_dim3A_35 = vector.shape_cast %reduce_sum3A_34 : vector<2048xf32> to vector<2048x1xf32>
    %log3A = math.log %broadcast_in_dim3A_35 : vector<2048x1xf32>
    %sub3A_36 = vector.broadcast %log3A : vector<2048x1xf32> to vector<2048x13xf32>
    %sub3A_37 = arith.subf %sub3A_33, %sub3A_36 : vector<2048x13xf32>
    %swap3A = arith.constant 0 : index
    %swap3A_38 = arith.constant 0 : index
    %swap3A_39 = vector.load %arg8[%swap3A, %swap3A_38] : memref<2048x13xf32, #tpu.memory_space<vmem>>, vector<2048x13xf32>
    tpu.vector_store %arg8[%swap3A, %swap3A_38], %sub3A_37 {strides = array<i32>} : memref<2048x13xf32, #tpu.memory_space<vmem>>, vector<2048x13xf32>,
    return
  }
  func.func @transform_0(%arg0: i32) -> (i32, i32) {
    %c0_i32 = arith.constant 0 : i32
    %c0_i32_0 = arith.constant 0 : i32
    return %arg0, %c0_i32 : i32, i32
  }
  func.func @transform_1(%arg0: i32) -> (i32, i32) {
    %c0_i32 = arith.constant 0 : i32
    %c0_i32_0 = arith.constant 0 : i32
    %c0_i32_1 = arith.constant 0 : i32
    return %c0_i32, %c0_i32_0 : i32, i32
  }
  func.func @transform_2(%arg0: i32) -> i32 {
    %c0_i32 = arith.constant 0 : i32
    %c0_i32_0 = arith.constant 0 : i32
    return %c0_i32 : i32
  }
  func.func @transform_3(%arg0: i32) -> (i32, i32) {
    %c0_i32 = arith.constant 0 : i32
    %c0_i32_0 = arith.constant 0 : i32
    %c0_i32_1 = arith.constant 0 : i32
    return %c0_i32, %c0_i32_0 : i32, i32
  }
  func.func @transform_4(%arg0: i32) -> i32 {
    %c0_i32 = arith.constant 0 : i32
    %c0_i32_0 = arith.constant 0 : i32
    return %c0_i32 : i32
  }
  func.func @transform_5(%arg0: i32) -> (i32, i32) {
    %c0_i32 = arith.constant 0 : i32
    %c0_i32_0 = arith.constant 0 : i32
    %c0_i32_1 = arith.constant 0 : i32
    return %c0_i32, %c0_i32_0 : i32, i32
  }
  func.func @transform_6(%arg0: i32) -> i32 {
    %c0_i32 = arith.constant 0 : i32
    %c0_i32_0 = arith.constant 0 : i32
    return %c0_i32 : i32
  }
  func.func @transform_7(%arg0: i32) -> (i32, i32) {
    %c0_i32 = arith.constant 0 : i32
    %c0_i32_0 = arith.constant 0 : i32
    return %arg0, %c0_i32 : i32, i32
  }
}

</mosaic_0001>

<sc_bundles>
// kernel: gather_offload_async_start
scs
__scs_entry_jumppad:
0x0: {  	(pc) =	sbr.rel $0x88, $3  }
0x1: {  	(tag) =	ssettag $0x0;
	lr =	simm.s32 $0x1  }
0x2: {  	[smem:$0x3F58] =	sst lr;
	_ =	strace $0xD0000000  }
0x3: {  	_ = 	snop  }
0x4: {  	_ = 	snop  }
0x5: {  	_ = 	snop  }
0x6: {  	_ = 	snop  }
0x7: {  	_ = 	snop  }
__scs_overlays_trampoline_lowered:
0x8: {  	[smem:$0x3F67] =	sst s0  }
0x9: {  	[smem:$0x3F68] =	sst s1  }
0xa: {  	[smem:$0x3F69] =	sst s2  }
0xb: {  	[smem:$0x3F6A] =	sst s3  }
0xc: {  	[smem:$0x3F6B] =	sst s4  }
0xd: {  	[smem:$0x3F6C] =	sst s5  }
0xe: {  	[smem:$0x3F6D] =	sst s6  }
0xf: {  	[smem:$0x3F6E] =	sst s7  }
0x10: {  	[smem:$0x3F6F] =	sst s8  }
0x11: {  	[smem:$0x3F70] =	sst s9;
	s0 =	simm.s32 @!p0 $0x0  }
0x12: {  	s1 =	sld [smem:$0x3F56];
	s0 =	simm.s32 @p0 $0x1  }
0x13: {  	[smem:$0x3F71] =	sst s0;
	s0 =	simm.s32 @!p1 $0x0  }
0x14: {  	s2 =	sld [smem:$0x3F55];
	s0 =	simm.s32 @p1 $0x1  }
0x15: {  	[smem:$0x3F72] =	sst s0;
	s0 =	simm.s32 @!p2 $0x0  }
0x16: {  	s3 =	sld [smem:$0x3FDB];
	s0 =	simm.s32 @p2 $0x1  }
0x17: {  	s4 =	simm.s32 $0x1BF5;
	[smem:$0x3F74] =	sst s0  }
0x18: {  	s0 =	sld [smem:$0x3F57];
	_ =	swait.ge [sflag:s4], $0x0  }
0x19: {  	s7 =	sld [smem:$0x3F58]  }
0x1a: {  	s8 =	sadd.s32 $0xFFFFE003, lr  }
0x1b: {  	s9 =	sadd.s32 $0xFFFFFEF7, lr;
	s5 =	simm.s32 $0xFFFFFFFF;
	p2 =	slt.u32 s8, $0xFFFFF086  }
0x1c: {  	p1 =	slt.u32 s9, $0xF7A;
	s5 =	simm.s32 @!p2 $0x0  }
0x1d: {  	s5 =	simm.s32 @p1 $0x1;
	p0 =	seq.s32 s7, s2  }
0x1e: {  	s7 =	smul.u32 @!p0 $0xF7A, s2;
	p2 =	seq.s32 @!p0 s5, $0x0  }
0x1f: {  	s9 =	smul.u32 $0xF7A, s1;
	s8 =	simm.s32 @!p0 $0x1BF5;
	p2 =	por !p2, p0  }
0x20: {  	[sflag:s8] =	ssyncset.s32 @!p0 $0xFFFFF086;
	s6 =	sadd.s32 @!p0 s3, s7;
	s7 =	simm.s32 @!p0 $0x108  }
0x21: {  	s3 =	sadd.s32 s3, s9;
	s6 =	sadd.s32 @!p0 $0x88, s6;
	s7 =	simm.s32 @p2 $0x1082  }
0x22: {  	[simem:s7], [sflag:s8] =	dma.local @!p0 [hbm:s6], $0xF7A  }
0x23: {  	s9 =	sor.u32 $0xD0000000, s2;
	s6 =	simm.s32 $0x108;
	_ =	swait.ge @!p0 [sflag:s8], $0x0  }
0x24: {  	s3 =	sadd.s32 $0x88, s3;
	s6 =	simm.s32 @!p1 $0x1082;
	[sflag:s4] =	ssyncset.s32 $0xFFFFF086  }
0x25: {  	[simem:s6], [sflag:s4] =	dma.local [hbm:s3], $0xF7A  }
0x26: {  	[smem:$0x3F58] =	sst s1;
	(tag) =	ssettag s2;
	_ =	strace s9  }
0x27: {  	s1 =	sld [smem:$0x3F68]  }
0x28: {  	s2 =	sld [smem:$0x3F69]  }
0x29: {  	s4 =	sld [smem:$0x3F6B]  }
0x2a: {  	p0 =	seq.s32 s5, $0x0;
	s5 =	sld [smem:$0x3F6C]  }
0x2b: {  	s6 =	sld [smem:$0x3F6D]  }
0x2c: {  	s7 =	sld [smem:$0x3F6E]  }
0x2d: {  	s3 =	simm.s32 $0x108;
	s8 =	sld [smem:$0x3F6F]  }
0x2e: {  	s3 =	simm.s32 @!p0 $0x1082;
	s9 =	sld [smem:$0x3F70]  }
0x2f: {  	lr =	sadd.s32 s0, s3;
	s0 =	sld [smem:$0x3F67]  }
0x30: {  	s3 =	sld [smem:$0x3F6A]  }
0x31: {  	[smem:$0x3F73] =	sst s10  }
0x32: {  	s10 =	sld [smem:$0x3F71];
	_ =	sdelay $0x3  }
0x33: {  	p0 =	seq.s32 s10, $0x1;
	s10 =	sld [smem:$0x3F73];
	_ =	sdelay $0x3  }
0x34: {  	[smem:$0x3F73] =	sst s10  }
0x35: {  	s10 =	sld [smem:$0x3F72];
	_ =	sdelay $0x3  }
0x36: {  	p1 =	seq.s32 s10, $0x1;
	s10 =	sld [smem:$0x3F73];
	_ =	sdelay $0x3  }
0x37: {  	[smem:$0x3F73] =	sst s10  }
0x38: {  	s10 =	sld [smem:$0x3F74]  }
0x39: {  	_ = 	snop;
	(pc) =	sbr.ind lr, $3  }
0x3a: {  	_ = 	snop  }
0x3b: {  	_ = 	snop  }
0x3c: {  	p2 =	seq.s32 s10, $0x1;
	s10 =	sld [smem:$0x3F73]  }
0x3d: {  	_ =	shalt  }
0x3e: {  	_ =	shalt  }
0x3f: {  	_ =	shalt  }
0x40: {  	_ =	shalt  }
0x41: {  	_ =	shalt  }
0x42: {  	_ =	shalt  }
0x43: {  	_ =	shalt  }
0x44: {  	_ =	shalt  }
0x45: {  	_ =	shalt  }
0x46: {  	_ =	shalt  }
0x47: {  	_ =	shalt  }
0x48: {  	_ =	shalt  }
0x49: {  	_ =	shalt  }
0x4a: {  	_ =	shalt  }
0x4b: {  	_ =	shalt  }
0x4c: {  	_ =	shalt  }
0x4d: {  	_ =	shalt  }
0x4e: {  	_ =	shalt  }
0x4f: {  	_ =	shalt  }
0x50: {  	_ =	shalt  }
0x51: {  	_ =	shalt  }
0x52: {  	_ =	shalt  }
0x53: {  	_ =	shalt  }
0x54: {  	_ =	shalt  }
0x55: {  	_ =	shalt  }
0x56: {  	_ =	shalt  }
0x57: {  	_ =	shalt  }
0x58: {  	_ =	shalt  }
0x59: {  	_ =	shalt  }
0x5a: {  	_ =	shalt  }
0x5b: {  	_ =	shalt  }
0x5c: {  	_ =	shalt  }
0x5d: {  	_ =	shalt  }
0x5e: {  	_ =	shalt  }
0x5f: {  	_ =	shalt  }
0x60: {  	_ =	shalt  }
0x61: {  	_ =	shalt  }
0x62: {  	_ =	shalt  }
0x63: {  	_ =	shalt  }
0x64: {  	_ =	shalt  }
0x65: {  	_ =	shalt  }
0x66: {  	_ =	shalt  }
0x67: {  	_ =	shalt  }
0x68: {  	_ =	shalt  }
0x69: {  	_ =	shalt  }
0x6a: {  	_ =	shalt  }
0x6b: {  	_ =	shalt  }
0x6c: {  	_ =	shalt  }
0x6d: {  	_ =	shalt  }
0x6e: {  	_ =	shalt  }
0x6f: {  	_ =	shalt  }
0x70: {  	_ =	shalt  }
0x71: {  	_ =	shalt  }
0x72: {  	_ =	shalt  }
0x73: {  	_ =	shalt  }
0x74: {  	_ =	shalt  }
0x75: {  	_ =	shalt  }
0x76: {  	_ =	shalt  }
0x77: {  	_ =	shalt  }
0x78: {  	_ =	shalt  }
0x79: {  	_ =	shalt  }
0x7a: {  	_ =	shalt  }
0x7b: {  	_ =	shalt  }
0x7c: {  	_ =	shalt  }
0x7d: {  	_ =	shalt  }
0x7e: {  	_ =	shalt  }
0x7f: {  	_ =	shalt  }
0x80: {  	_ =	shalt  }
0x81: {  	_ =	shalt  }
0x82: {  	_ =	shalt  }
0x83: {  	_ =	shalt  }
0x84: {  	_ =	shalt  }
0x85: {  	_ =	shalt  }
0x86: {  	_ =	shalt  }
0x87: {  	_ =	shalt  }
.Lfunc_end0:
.L_simem_size_0:
called_computation.6_lowered:
.L_overlay_start_0:
0x88: {  	s0 =	sld [smem:$0x3FD9]  }
0x89: {  	s1 =	sld [smem:$0x3FFE];
	_ =	sdelay $0x3  }
0x8a: {  	s0 =	sadd.s32 s1, s0  }
0x8b: {  	[smem:$0x3F7F] =	sst s0  }
0x8c: {  	_ = 	snop  }
0x8d: {  	(tm) =	ssettm $0x1  }
0x8e: {  	s15 =	sld [smem:$0x3FFB];
	_ =	sdelay $0x3  }
0x8f: {  	_ =	strace s15  }
0x90: {  	s0 =	sld [smem:$0x3FFC];
	_ =	sdelay $0x3  }
0x91: {  	_ =	strace s0  }
0x92: {  	s0 =	sld [smem:$0x3FFD];
	_ =	sdelay $0x3  }
0x93: {  	_ =	strace s0  }
0x94: {  	_ =	strace $0x8FFFFFFF  }
0x95: {  	s16 =	sld [smem:$0x3FDB];
	_ =	sdelay $0x1  }
0x96: {  	s17 =	simm.s32 $_scs_section_size  }
0x97: {  	s2 =	simm.s32 $_size__tile_overlayer_lowered;
	s3 =	simm.s32 $_tile_overlayer_lowered  }
0x98: {  	s20 =	simm.s32 $0x1BFF;
	s19 =	sshll.u32 s3, $0x1;
	s0 =	sadd.s32 s17, s16  }
0x99: {  	s4 =	simm.s32 $0x0;
	s18 =	sshll.u32 s2, $0x1;
	s2 =	sadd.s32 s19, s0  }
0x9a: {  	[timem:s4], [sflag:s20] =	dma.local [hbm:s2], s18  }
0x9b: {  	_ =	swait.ge [sflag:s20], s18  }
0x9c: {  	s1 =	ssub.s32 $0x0, s18;
	[sflag:s20] =	ssyncset.done $0x0  }
0x9d: {  	[sflag:s20] =	ssyncadd.s32 s1;
	_ =	sdelay $0x1  }
0x9e: {  	s21 =	simm.s32 $0x1B8B  }
0x9f: {  	_ =	swait.ge [sflag:s21], $0x1  }
0xa0: {  	[sflag:s21] =	ssyncset.done $0x0  }
0xa1: {  	s23 =	simm.s32 $0x1B8E;
	s22 =	sld [smem:$0x3FFE];
	[sflag:s21] =	ssyncadd.s32 $0xFFFFFFFF  }
0xa2: {  	s24 =	simm.s32 $execute0_lowered;
	[smem:$0x3FD2] =	sst s23  }
0xa3: {  	s2 =	sshll.u32 s24, $0x1;
	_ =	strace $0x80000046;
	[dreg:$0x1] =	wrdreg $0xFFFFFFFF  }
0xa4: {  	s25 =	simm.s32 $_size_execute0_lowered;
	s0 =	sadd.s32 s0, s2;
	[dreg:$0x0] =	wrdreg $0x0  }
0xa5: {  	s2 =	sshll.u32 s25, $0x1;
	[dreg:$0x2] =	wrdreg s0  }
0xa6: {  	[dreg:$0x3] =	wrdreg s2  }
0xa7: {  	[dreg:$0x4] =	wrdreg $0xC0  }
0xa8: {  	_ =	task [dreg:s4], $0x5FFFF  }
0xa9: {  	[dreg:$0x1] =	wrdreg $0xFFFFFFFF  }
0xaa: {  	[dreg:$0x0] =	wrdreg $0x60  }
0xab: {  	[dreg:$0x2] =	wrdreg s22  }
0xac: {  	[dreg:$0x3] =	wrdreg $0x9  }
0xad: {  	_ =	task.clear_ibuf [dreg:s4], $0x4FFFF;
	_ =	strace $0x90000046  }
0xae: {  	s26 =	simm.s32 $0x9;
	_ =	strace $0x80000048  }
0xaf: {  	_ =	swait.ge [sflag:s26], $0x1  }
0xb0: {  	[sflag:s26] =	ssyncadd.s32 $0xFFFFFFFF  }
0xb1: {  	_ =	strace $0x90000048  }
0xb2: {  	_ =	sfence  }
0xb3: {  	s28 =	sld [smem:$0x0];
	_ =	sdelay $0x1  }
0xb4: {  	s29 =	srdreg.scid  }
0xb5: {  	s30 =	sshll.u32 s29, $0xD;
	s31 =	sshrl.u32 s29, $0x2  }
0xb6: {  	s1 =	sand.u32 $0x1, s29;
	s2 =	sand.u32 $0x4000, s30;
	s0 =	sadd.s32 s31, s28  }
0xb7: {  	s1 =	sor.u32 s2, s1;
	s0 =	sshll.u32 s0, $0x11  }
0xb8: {  	s0 =	sor.u32 s0, s1  }
0xb9: {  	s0 =	sadd.s32 $0x8F2B, s0  }
0xba: {  	[sflag:s0] =	ssyncadd.remote.s32 $0x1  }
0xbb: {  	_ =	sfence.sel $0xFFFF  }
0xbc: {  	[dreg:$0x0] =	wrdreg $0xFFFFFFFF;
	(pc) =	sbr.abs _section_cstart, $3  }
0xbd: {  	[dreg:$0x1] =	wrdreg $0xFFFFFFFF  }
0xbe: {  	_ =	task.clear_ibuf [dreg:s4], $0x2FFFF;
	_ =	strace $0x9FFFFFFF  }
0xbf: {  	(tm) =	ssettm $0x7FFFFFFF  }
tec
execute0_lowered:
.L_overlay_start_1:
0x0: {  	(tag) =	ssettag $0x1  }
0x1: {  	s0 =	stileid.u32  }
0x2: {  	s1 =	smin.u32 s0, $0x9;
	s2 =	sshll.u32 s0, $0x1  }
0x3: {  	s1 =	sadd.s32 s1, s2  }
0x4: {  	p0 =	slt.u32 s0, $0x9;
	s2 =	smul.u32 $0x50, s1;
	s1 =	simm.s32 $0xF0  }
0x5: {  	s1 =	simm.s32 @!p0 $0xA0  }
0x6: {  	s1 =	sadd.s32 s1, s2  }
0x7: {  	s3 =	smin.u32 s1, $0xCD0  }
0x8: {  	s7 =	ssub.s32 s3, s2  }
0x9: {  	p0 =	sgt.s32 s7, $0x0  }
0xa: {  	s7 =	simm.s32 @!p0 $0x0  }
0xb: {  	s31 =	smul.u32 $0xCCCD, s7  }
0xc: {  	s4 =	rddreg [dreg:$0x0];
	s6 =	simm.s32 $0x1  }
0xd: {  	s10 =	simm.s32 $0x3;
	s13 =	simm.s32 $0x0;
	s8 =	sshrl.u32 s31, $0x16  }
0xe: {  	s12 =	simm.s32 $0x0;
	s5 =	sadd.s32 $0x40000, s4;
	s9 =	smul.u32 $0x50, s8  }
.Ltmp0:
0xf: {  	s11 =	smov.u32 s2;
	s1 =	rddreg [dreg:$0x1];
	(pc) =	sbr.rel .LBB2_1-.Ltmp0, $4  }
0x10: {  	_ =	strace $0x80000047;
	p0 =	sne.s32 s7, s9;
	s9 =	simm.s32 $0x1  }
0x11: {  	[sflag:s6] =	ssyncpa.u1 $0x0;
	s7 =	simm.s32 $0x2;
	s9 =	simm.s32 @!p0 $0x0  }
0x12: {  	[sflag:s7] =	ssyncpa.u1 $0x0;
	p0 =	por $0x0, $0x0;
	s8 =	sadd.s32 s8, s9  }
0x13: {  	vm0 =	vmmov $0xff;
	vm1 =	vcmask $0x3F20;
	s9 =	sadd.s32 $0x40200, s4;
	[sflag:s10] =	ssyncpa.u1 $0x0;
	s10 =	sadd.s32 $0x1, s8  }
.LBB2_6:
0x14: {  	[hbm:s17] =	stream.linear.scatter [tilespmem:s14], [sflag:$0x3], $0x400, $0x38;
	[tilespmem:$0x50A0] =	vst v63  }
.LBB2_7:
0x15: {  	s13 =	sadd.s32 $0x50, s11  }
0x16: {  	s15 =	smov.u32 s2;
	p2 =	slt.s32 s13, s3  }
0x17: {  	s15 =	smov.u32 @p2 s13;
	p2 =	sne.s32 s12, s10  }
.Ltmp1:
0x18: {  	p1 =	slt.u32 s12, $0x2;
	(pc) =	sbr.rel @!p2 .LBB2_8-.Ltmp1, $4  }
0x19: {  	s14 =	simm.s32 @!p1 $0x3  }
0x1a: {  	s16 =	sadd.s32 $0x1, s12;
	_ =	swait.ge @!p1 [sflag:s14], $0x2800  }
0x1b: {  	p0 =	por !p0, !p0;
	s13 =	smov.u32 s11;
	[sflag:s14] =	ssyncset.done @!p1 $0x0  }
0x1c: {  	s12 =	smov.u32 s16;
	s11 =	smov.u32 s15;
	[sflag:s14] =	ssyncadd.s32 @!p1 $0xFFFFD800  }
.LBB2_1:
0x1d: {  	p1 =	sge.u32 s12, s8  }
0x1e: {  	s14 =	sxor.u32 @!p1 $0xFFFFFFFF, s12  }
0x1f: {  	s14 =	sand.u32 @!p1 $0x1, s14  }
0x20: {  	s14 =	smul.u32 @!p1 $0x140, s14  }
0x21: {  	s31 =	sadd.s32 $0xFFFFFFFF, s12;
	s15 =	sshrl.u32 @!p1 s11, $0x3  }
0x22: {  	s16 =	sand.u32 @!p1 $0x7, s11;
	s15 =	sadd.s32 @!p1 s5, s15;
	s14 =	sshrl.u32 @!p1 s14, $0x2  }
0x23: {  	[tilespmem:s14], [sflag:$0x2] =	stream.linear.gather @!p1 [hbm4b:s15+s16], $0x50, $0x38;
	[tilespmem:$0x50A0] =	vst v63  }
0x24: {  	p1 =	sge.u32 s31, s8  }
.Ltmp2:
0x25: {  	_ = 	snop;
	(pc) =	sbr.rel @p1 .LBB2_7-.Ltmp2, $1  }
0x26: {  	_ =	sdelay $0x3  }
0x27: {  	s14 =	simm.s32 $0x1  }
0x28: {  	s14 =	simm.s32 @!p0 $0x0  }
0x29: {  	s15 =	smul.u32 $0x140, s14  }
0x2a: {  	_ =	swait.ge [sflag:s7], $0x50  }
0x2b: {  	[sflag:s7] =	ssyncset.done $0x0;
	s16 =	sshrl.u32 s15, $0x2  }
0x2c: {  	[sflag:s7] =	ssyncadd.s32 $0xFFFFFFB0;
	s15 =	sadd.s32 $0x0, s16  }
0x2d: {  	v0 =	vld.msk [tilespmem:s15+$0x0 ss:$0x1], $0xffff;
	_ =	sdelay $0x4  }
0x2e: {  	v1 =	vshll.u32 v0, $0x5  }
0x2f: {  	vm2 =	veq.s32 v0, $0x80000000;
	v0 =	vshll.u32 v0, $0x13;
	v1 =	vand.u32 $0x7FF80, v1  }
0x30: {  	v0 =	vand.u32 $0x180000, v0;
	v1 =	vsel vm2, $0xFFFFFF80, v1  }
0x31: {  	v0 =	vsel vm2, $0xFFF80000, v0;
	v2 =	vand.u32 $0xFFFFFC00, v1  }
0x32: {  	v1 =	vand.u32 $0x380, v1;
	v0 =	vadd.s32 v0, v2  }
0x33: {  	v0 =	vor.u32 v1, v0  }
0x34: {  	v0 =	vshrl.u32 v0, $0x3  }
0x35: {  	s14 =	smul.u32 $0xA000, s14;
	_ =	sdelay $0x1  }
0x36: {  	s14 =	sshrl.u32 s14, $0x2  }
0x37: {  	s14 =	sor.u32 $0xA0, s14  }
0x38: {  	[tilespmem:s14], [sflag:$0x1] =	stream.indirect_vreg.gather [hbm:s4], $0x80, v0, vm0, $0x38;
	[tilespmem:$0x50A0] =	vst v63  }
0x39: {  	s17 =	sadd.s32 $0x10, s16;
	s15 =	sadd.s32 $0x400, s14  }
0x3a: {  	[tilespmem:s15], [sflag:$0x1] =	stream.indirect_vreg.gather [hbm:s4], $0x80, v0, vm1, $0x38;
	[tilespmem:$0x50A0] =	vst v63  }
0x3b: {  	s18 =	simm.s32 $0x80;
	v0 =	vld.msk [tilespmem:s17+$0x0 ss:$0x1], $0xffff;
	s17 =	smov.u32 s14  }
.LBB2_3:
0x3c: {  	p1 =	sne.s32 s18, $0x100;
	_ =	sdelay $0x4  }
0x3d: {  	v1 =	vshll.u32 v0, $0x5  }
0x3e: {  	vm2 =	veq.s32 v0, $0x80000000;
	v0 =	vshll.u32 v0, $0x13;
	v1 =	vand.u32 $0x7FF80, v1  }
0x3f: {  	v0 =	vand.u32 $0x180000, v0;
	v1 =	vsel vm2, $0xFFFFFF80, v1  }
0x40: {  	v0 =	vsel vm2, $0xFFF80000, v0;
	v2 =	vand.u32 $0xFFFFFC00, v1  }
0x41: {  	v1 =	vand.u32 $0x380, v1;
	v0 =	vadd.s32 v0, v2  }
0x42: {  	v0 =	vor.u32 v1, v0  }
0x43: {  	v0 =	vshrl.u32 v0, $0x3;
	_ =	sdelay $0x3  }
.Ltmp3:
0x44: {  	s19 =	sshra.s32 s18, $0x2;
	s17 =	sadd.s32 $0x800, s17;
	(pc) =	sbr.rel @p1 .LBB2_3-.Ltmp3, $4  }
0x45: {  	[tilespmem:s17], [sflag:$0x1] =	stream.indirect_vreg.gather [hbm:s4], $0x80, v0, vm0, $0x38;
	[tilespmem:$0x50A0] =	vst v63  }
0x46: {  	s19 =	sadd.s32 s19, s16;
	s20 =	sadd.s32 $0x400, s17  }
0x47: {  	[tilespmem:s20], [sflag:$0x1] =	stream.indirect_vreg.gather [hbm:s4], $0x80, v0, vm1, $0x38;
	[tilespmem:$0x50A0] =	vst v63  }
0x48: {  	s18 =	sadd.s32 $0x40, s18;
	v0 =	vld.msk [tilespmem:s19+$0x0 ss:$0x1], $0xffff  }
0x49: {  	_ =	sdelay $0x3  }
0x4a: {  	v1 =	vshll.u32 v0, $0x5  }
0x4b: {  	vm2 =	veq.s32 v0, $0x80000000;
	v63 =	vshll.u32 v0, $0x13;
	v1 =	vand.u32 $0x7FF80, v1  }
0x4c: {  	v0 =	vand.u32 $0x180000, v63;
	v1 =	vsel vm2, $0xFFFFFF80, v1  }
0x4d: {  	v0 =	vsel vm2, $0xFFF80000, v0;
	v2 =	vand.u32 $0xFFFFFC00, v1  }
0x4e: {  	v1 =	vand.u32 $0x380, v1;
	v0 =	vadd.s32 v0, v2  }
0x4f: {  	v0 =	vor.u32 v1, v0  }
0x50: {  	v0 =	vshrl.u32 v0, $0x3;
	_ =	sdelay $0x3  }
0x51: {  	s16 =	sadd.s32 $0x800, s17  }
0x52: {  	[tilespmem:s16], [sflag:$0x1] =	stream.indirect_vreg.gather [hbm:s4], $0x80, v0, vm0, $0x38;
	[tilespmem:$0x50A0] =	vst v63  }
0x53: {  	s16 =	sadd.s32 $0x400, s16  }
0x54: {  	[tilespmem:s16], [sflag:$0x1] =	stream.indirect_vreg.gather [hbm:s4], $0x80, v0, vm1, $0x38;
	[tilespmem:$0x50A0] =	vst v63  }
0x55: {  	s13 =	sshll.u32 s13, $0x4;
	_ =	swait.ge [sflag:s6], $0x2800  }
0x56: {  	s13 =	sadd.s32 s13, s9;
	[sflag:s6] =	ssyncset.done $0x0  }
0x57: {  	s17 =	sadd.s32 $0x0, s13;
	s16 =	simm.s32 $0x80;
	[sflag:s6] =	ssyncadd.s32 $0xFFFFD800  }
.LBB2_5:
0x58: {  	[hbm:s17] =	stream.linear.scatter [tilespmem:s14], [sflag:$0x3], $0x400, $0x38;
	[tilespmem:$0x50A0] =	vst v63  }
0x59: {  	s17 =	smov.u32 s16;
	s14 =	smov.u32 s15;
	p1 =	sne.s32 s16, $0x480  }
.Ltmp4:
0x5a: {  	s16 =	sadd.s32 $0x80, s16;
	(pc) =	sbr.rel @p1 .LBB2_5-.Ltmp4, $2  }
0x5b: {  	_ =	sdelay $0x2  }
0x5c: {  	s15 =	sadd.s32 $0x400, s15;
	s17 =	sadd.s32 s17, s13  }
.Ltmp5:
0x5d: {  	_ = 	snop;
	(pc) =	sbr.rel .LBB2_6-.Ltmp5, $1  }
0x5e: {  	_ =	sdelay $0x3  }
.LBB2_8:
0x5f: {  	_ =	sfence.sel $0x180000  }
0x60: {  	s2 =	simm.s32 $0x2;
	[bflag:$0x0] =	sbarrier.arrive $0xFFFF  }
0x61: {  	s30 =	simm.s32 $0x3;
	[sflag:s2] =	ssyncpa.u1 $0x1  }
0x62: {  	s31 =	simm.s32 $0x1;
	[sflag:s30] =	ssyncpa.u1 $0x1  }
0x63: {  	[sflag:s31] =	ssyncpa.u1 $0x1  }
0x64: {  	p0 =	sne.s32 s0, $0x0;
	_ =	strace $0x90000047  }
0x65: {  	s0 =	sadd.s32 @!p0 $0x100000, s1;
	[bflag:$0x2] =	sbarrier.arrive $0xFFFF  }
0x66: {  	[sflag:s0] =	ssyncadd.tile.s32 @!p0 $0x1;
	_ =	shalt  }
.Lfunc_end2:
_tile_overlayer_lowered:
.L_overlay_start_2:
0x67: {  	(tag) =	ssettag $0x2  }
0x68: {  	s0 =	rddreg [dreg:$0x0];
	s2 =	stileid.u32  }
0x69: {  	s1 =	rddreg [dreg:$0x1];
	p0 =	sne.s32 s2, $0x0  }
0x6a: {  	s3 =	rddreg [dreg:$0x2];
	[bflag:$0x3] =	sbarrier.arrive $0xFFFF;
	s2 =	simm.s32 @!p0 $0x1C01  }
0x6b: {  	[timem:s3], [sflag:s2] =	dma.local @!p0 [hbm:s0], s1  }
0x6c: {  	s0 =	simm.s32 @!p0 $0x1  }
0x6d: {  	_ =	swait.ge @!p0 [sflag:s0], s1  }
0x6e: {  	s1 =	ssub.s32 @!p0 $0x0, s1;
	[sflag:s0] =	ssyncset.done @!p0 $0x0  }
0x6f: {  	[sflag:s0] =	ssyncadd.s32 @!p0 s1  }
0x70: {  	[bflag:$0x3] =	sbarrier.arrive $0xFFFF  }
0x71: {  	_ =	shalt  }

// kernel: sparse-core-data-format-call.1.cloned.1.call-start
scs
called_computation.1_lowered:
.L_overlay_start_0:
0x0: {  	s1 =	sld [smem:$0x3FD9]  }
0x1: {  	s2 =	sld [smem:$0x3FFE];
	_ =	sdelay $0x1  }
0x2: {  	s3 =	srdreg.scid  }
0x3: {  	s0 =	sand.u32 $0x1, s3  }
0x4: {  	s17 =	sshll.u32 s0, $0xA;
	s1 =	sadd.s32 s2, s1  }
0x5: {  	s1 =	sadd.s32 s1, s17  }
0x6: {  	[smem:$0x3F7F] =	sst s1  }
0x7: {  	_ = 	snop  }
0x8: {  	(tm) =	ssettm $0x1  }
0x9: {  	s18 =	sld [smem:$0x3FFB];
	_ =	sdelay $0x3  }
0xa: {  	_ =	strace s18  }
0xb: {  	s1 =	sld [smem:$0x3FFC];
	_ =	sdelay $0x3  }
0xc: {  	_ =	strace s1  }
0xd: {  	s1 =	sld [smem:$0x3FFD];
	_ =	sdelay $0x3  }
0xe: {  	_ =	strace s1  }
0xf: {  	_ =	strace $0x8FFFFFFF  }
0x10: {  	s19 =	sld [smem:$0x3FDB];
	_ =	sdelay $0x1  }
0x11: {  	s20 =	simm.s32 $_scs_section_size  }
0x12: {  	s4 =	simm.s32 $_size__tile_overlayer_lowered;
	s5 =	simm.s32 $_tile_overlayer_lowered  }
0x13: {  	s23 =	simm.s32 $0x1BFF;
	s22 =	sshll.u32 s5, $0x1;
	s1 =	sadd.s32 s20, s19  }
0x14: {  	s6 =	simm.s32 $0x0;
	s21 =	sshll.u32 s4, $0x1;
	s4 =	sadd.s32 s22, s1  }
0x15: {  	[timem:s6], [sflag:s23] =	dma.local [hbm:s4], s21  }
0x16: {  	_ =	swait.ge [sflag:s23], s21  }
0x17: {  	s2 =	ssub.s32 $0x0, s21;
	[sflag:s23] =	ssyncset.done $0x0  }
0x18: {  	[sflag:s23] =	ssyncadd.s32 s2;
	_ =	sdelay $0x1  }
0x19: {  	s24 =	simm.s32 $0x1B8B  }
0x1a: {  	_ =	swait.ge [sflag:s24], $0x1  }
0x1b: {  	[sflag:s24] =	ssyncset.done $0x0  }
0x1c: {  	s26 =	simm.s32 $0x1B8E;
	s25 =	sld [smem:$0x3FFE];
	[sflag:s24] =	ssyncadd.s32 $0xFFFFFFFF  }
0x1d: {  	s27 =	simm.s32 $execute0_lowered;
	[smem:$0x3FD2] =	sst s26  }
0x1e: {  	s4 =	sshll.u32 s27, $0x1;
	_ =	strace $0x80000058;
	[dreg:$0x1] =	wrdreg $0xFFFFFFFF  }
0x1f: {  	s28 =	simm.s32 $_size_execute0_lowered;
	s1 =	sadd.s32 s1, s4;
	[dreg:$0x0] =	wrdreg $0x0  }
0x20: {  	s4 =	sshll.u32 s28, $0x1;
	[dreg:$0x2] =	wrdreg s1  }
0x21: {  	[dreg:$0x3] =	wrdreg s4  }
0x22: {  	[dreg:$0x4] =	wrdreg $0xC0  }
0x23: {  	_ =	task [dreg:s6], $0x5FFFF  }
0x24: {  	[dreg:$0x1] =	wrdreg $0xFFFFFFFF  }
0x25: {  	[dreg:$0x0] =	wrdreg $0x60  }
0x26: {  	[dreg:$0x2] =	wrdreg s25  }
0x27: {  	[dreg:$0x3] =	wrdreg $0x9  }
0x28: {  	_ =	task.clear_ibuf [dreg:s6], $0x4FFFF;
	_ =	strace $0x90000058  }
0x29: {  	s29 =	simm.s32 $0x9;
	_ =	strace $0x8000005A  }
0x2a: {  	_ =	swait.ge [sflag:s29], $0x1  }
0x2b: {  	[sflag:s29] =	ssyncadd.s32 $0xFFFFFFFF  }
0x2c: {  	_ =	strace $0x9000005A  }
0x2d: {  	_ =	sfence  }
0x2e: {  	s30 =	sld [smem:$0x0];
	_ =	sdelay $0x2  }
0x2f: {  	s31 =	sshll.u32 s3, $0xD;
	s3 =	sshrl.u32 s3, $0x2  }
0x30: {  	s2 =	sand.u32 $0x4000, s31;
	s1 =	sadd.s32 s3, s30  }
0x31: {  	s0 =	sor.u32 s2, s0;
	s1 =	sshll.u32 s1, $0x11  }
0x32: {  	s0 =	sor.u32 s1, s0  }
0x33: {  	s0 =	sadd.s32 $0x8F2B, s0  }
0x34: {  	[sflag:s0] =	ssyncadd.remote.s32 $0x1  }
0x35: {  	_ =	sfence.sel $0xFFFF  }
0x36: {  	[dreg:$0x0] =	wrdreg $0xFFFFFFFF;
	(pc) =	sbr.abs _section_cstart, $3  }
0x37: {  	[dreg:$0x1] =	wrdreg $0xFFFFFFFF  }
0x38: {  	_ =	task.clear_ibuf [dreg:s6], $0x2FFFF;
	_ =	strace $0x9FFFFFFF  }
0x39: {  	(tm) =	ssettm $0x7FFFFFFF  }
tec
execute0_lowered:
.L_overlay_start_1:
0x0: {  	(tag) =	ssettag $0x1  }
0x1: {  	s3 =	rddreg [dreg:$0x0]  }
0x2: {  	s0 =	rddreg [dreg:$0x1]  }
0x3: {  	s1 =	srdreg.scid;
	_ =	strace $0x80000059;
	s7 =	simm.s32 $0x2  }
0x4: {  	s19 =	simm.s32 $0x0;
	p0 =	por $0x0, $0x0;
	s17 =	simm.s32 $0x0  }
0x5: {  	s18 =	simm.s32 $0x0;
	s20 =	simm.s32 $0x0;
	s8 =	simm.s32 $0x0  }
0x6: {  	s9 =	simm.s32 $0x0;
	s11 =	simm.s32 $0x0;
	s12 =	simm.s32 $0x0  }
0x7: {  	s13 =	simm.s32 $0x0;
	s14 =	simm.s32 $0x0;
	s10 =	simm.s32 $0x0  }
.Ltmp0:
0x8: {  	s4 =	sshll.u32 s1, $0x4;
	s2 =	sadd.s32 $0x62B800, s3;
	(pc) =	sbr.rel .LBB1_1-.Ltmp0, $4  }
0x9: {  	s1 =	stileid.u32;
	s3 =	sadd.s32 $0x1C0000, s3;
	s4 =	sand.u32 $0x10, s4  }
0xa: {  	s5 =	sand.u32 $0x3, s1;
	s6 =	sor.u32 s1, s4;
	s4 =	simm.s32 $0x1  }
0xb: {  	s16 =	smov.u32 s5;
	[sflag:s4] =	ssyncpa.u1 $0x0;
	s6 =	sshrl.u32 s6, $0x2  }
0xc: {  	[sflag:s7] =	ssyncpa.u1 $0x0;
	s7 =	simm.s32 $0x4000;
	s15 =	smov.u32 s6  }
.LBB1_5:
0xd: {  	p1 =	slt.u32 s10, $0x2;
	s21 =	smov.u32 s20  }
0xe: {  	s24 =	smov.u32 s16;
	s10 =	sadd.s32 $0x1, s10;
	p2 =	sgt.s32 @!p1 s20, $0x3  }
0xf: {  	p0 =	por !p0, !p0;
	s22 =	sshra.s32 @!p1 s20, $0x1F;
	p2 =	por !p2, p1  }
0x10: {  	s23 =	sshra.s32 @!p1 s19, $0x1F;
	s20 =	sand.u32 @!p1 s22, s20;
	s21 =	simm.s32 @p2 $0x3  }
0x11: {  	s22 =	smov.u32 s19;
	p2 =	sgt.s32 @!p1 s19, $0x4D;
	s20 =	ssub.s32 @!p1 s21, s20  }
0x12: {  	s19 =	sand.u32 @!p1 s23, s19;
	p2 =	por !p2, p1;
	s21 =	sadd.s32 @!p1 $0xFFFFFFFD, s20  }
0x13: {  	s22 =	simm.s32 @p2 $0x4D;
	s20 =	ssub.s32 @!p1 $0x4, s20;
	p3 =	sgt.s32 @!p1 s21, $0x0  }
0x14: {  	s19 =	ssub.s32 @!p1 s22, s19;
	s22 =	sshra.s32 @!p1 s18, $0x1F;
	p2 =	por !p3, p1  }
0x15: {  	s21 =	sadd.s32 @!p1 $0xFFFFFFB3, s19;
	p3 =	sgt.s32 @!p1 s18, $0x3F;
	s19 =	ssub.s32 @!p1 $0xCD, s19  }
0x16: {  	s20 =	simm.s32 @!p2 $0x0;
	p2 =	sgt.s32 @!p1 s21, $0x7F;
	p3 =	por !p3, p1  }
0x17: {  	s21 =	smov.u32 s18;
	s18 =	sand.u32 @!p1 s22, s18;
	s22 =	sshra.s32 @!p1 s17, $0x1F  }
0x18: {  	s21 =	simm.s32 @p3 $0x3F;
	p3 =	sgt.s32 @!p1 s17, $0x80;
	p2 =	por !p2, p1  }
0x19: {  	s18 =	ssub.s32 @!p1 s21, s18;
	p3 =	por !p3, p1;
	s21 =	smov.u32 s17  }
0x1a: {  	s17 =	sand.u32 @!p1 s22, s17;
	s22 =	sadd.s32 @!p1 $0xFFFFFFC1, s18;
	s21 =	simm.s32 @p3 $0x80  }
0x1b: {  	s18 =	ssub.s32 @!p1 $0x40, s18;
	p3 =	sgt.s32 @!p1 s22, $0x0;
	s17 =	ssub.s32 @!p1 s21, s17  }
0x1c: {  	s22 =	smov.u32 s14;
	p3 =	por !p3, p1;
	s21 =	sadd.s32 @!p1 $0xFFFFFF80, s17  }
0x1d: {  	s17 =	ssub.s32 @!p1 $0x100, s17;
	s18 =	simm.s32 @!p3 $0x0;
	p3 =	sgt.s32 @!p1 s21, $0x7F  }
0x1e: {  	s21 =	sadd.s32 $0x80, s13;
	p3 =	por !p3, p1;
	s18 =	smul.u32 @!p1 s20, s18  }
0x1f: {  	s20 =	sadd.s32 $0x80, s14;
	s17 =	simm.s32 @!p3 $0x0;
	p3 =	sgt.s32 s21, $0xCC  }
0x20: {  	s23 =	smov.u32 s15;
	s19 =	simm.s32 @!p2 $0x0;
	s22 =	smov.u32 @p3 s20  }
0x21: {  	s17 =	smul.u32 @!p1 s17, s18;
	s18 =	sadd.s32 $0x8, s15;
	p2 =	sgt.s32 s22, $0xFF  }
0x22: {  	s25 =	simm.s32 @!p1 $0x2;
	s21 =	simm.s32 @p3 $0x0;
	s23 =	smov.u32 @p2 s18  }
0x23: {  	s20 =	smov.u32 s12;
	s18 =	sadd.s32 $0x4, s16;
	p3 =	sgt.s32 s23, $0x3F  }
0x24: {  	s12 =	smov.u32 s16;
	s17 =	smul.u32 @!p1 s19, s17;
	s24 =	smov.u32 @p3 s18  }
0x25: {  	s22 =	simm.s32 @p2 $0x0;
	s19 =	smov.u32 s8;
	p2 =	sgt.s32 s24, $0x3  }
0x26: {  	s8 =	smov.u32 s13;
	s24 =	smov.u32 @p2 s5;
	p2 =	sne.s32 s10, $0x22  }
.Ltmp1:
0x27: {  	s13 =	smov.u32 s21;
	s17 =	sand.u32 @!p1 $0x3FFFFFFF, s17;
	(pc) =	sbr.rel @!p2 .LBB1_6-.Ltmp1, $4  }
0x28: {  	s23 =	smov.u32 @p3 s6;
	s18 =	smov.u32 s11;
	s11 =	smov.u32 s15  }
0x29: {  	_ =	swait.ge @!p1 [sflag:s25], s17;
	s26 =	ssub.s32 @!p1 $0x0, s17;
	s17 =	smov.u32 s9  }
0x2a: {  	s9 =	smov.u32 s14;
	s14 =	smov.u32 s22;
	[sflag:s25] =	ssyncset.done @!p1 $0x0  }
0x2b: {  	s15 =	smov.u32 s23;
	[sflag:s25] =	ssyncadd.s32 @!p1 s26;
	s16 =	smov.u32 s24  }
.LBB1_1:
0x2c: {  	p1 =	sgt.u32 s10, $0x1F  }
0x2d: {  	s21 =	sxor.u32 @!p1 $0xFFFFFFFF, s10;
	s22 =	sand.u32 @!p1 $0x78, s13;
	s23 =	sshll.u32 @!p1 s14, $0x8  }
0x2e: {  	s24 =	sshll.u32 @!p1 s13, $0x3;
	s25 =	sshll.u32 @!p1 s14, $0x7;
	s21 =	sshll.u32 @!p1 s21, $0xE  }
0x2f: {  	s23 =	sand.u32 @!p1 $0xF800, s23;
	s24 =	sand.u32 @!p1 $0xFC00, s24;
	s21 =	sand.u32 @!p1 $0x4000, s21  }
0x30: {  	s23 =	sadd.s32 @!p1 s23, s24;
	s24 =	sand.u32 @!p1 $0x300, s25;
	s25 =	sand.u32 @!p1 $0x80, s25  }
0x31: {  	s23 =	sor.u32 @!p1 s24, s23;
	s22 =	sor.u32 @!p1 s22, s25;
	s24 =	sshll.u32 @!p1 s16, $0x13  }
0x32: {  	s25 =	sshll.u32 @!p1 s15, $0xD;
	s23 =	sshrl.u32 @!p1 s23, $0x3;
	s24 =	sadd.s32 @!p1 s2, s24  }
0x33: {  	s22 =	sshrl.u32 @!p1 s22, $0x3;
	s24 =	sadd.s32 @!p1 s25, s24;
	s25 =	sand.u32 @!p1 $0x7, s13  }
0x34: {  	s23 =	sand.u32 @!p1 $0x1FE0, s23;
	s22 =	sadd.s32 @!p1 s22, s24;
	s24 =	sshll.u32 @!p1 s25, $0x12  }
0x35: {  	s22 =	sadd.s32 @!p1 s23, s22;
	s23 =	sor.u32 @!p1 $0x400, s24;
	s24 =	simm.s32 @!p1 $0x800  }
0x36: {  	[tilespmem:s21], [sflag:$0x1] =	stream.strided.gather @!p1 [hbm4b:s22+s23], $0x4000, s24, s23, $0x38;
	[tilespmem:$0x10100] =	vst v63  }
0x37: {  	p1 =	seq.s32 s10, $0x0  }
0x38: {  	p2 =	seq.s32 @!p1 s10, $0x21  }
0x39: {  	p1 =	por p1, p2  }
.Ltmp2:
0x3a: {  	_ = 	snop;
	(pc) =	sbr.rel @p1 .LBB1_5-.Ltmp2, $1  }
0x3b: {  	_ =	sdelay $0x3  }
0x3c: {  	s21 =	simm.s32 $0x1  }
0x3d: {  	_ =	swait.ge [sflag:s4], $0x4000;
	s21 =	simm.s32 @!p0 $0x0  }
0x3e: {  	[sflag:s4] =	ssyncset.done $0x0;
	s22 =	sshll.u32 s21, $0xE  }
0x3f: {  	[sflag:s4] =	ssyncadd.s32 $0xFFFFC000;
	s22 =	sor.u32 $0x40, s22  }
0x40: {  	s21 =	smul.u32 $0x10200, s21;
	v0 =	vld [tilespmem:s22+$0x30]  }
0x41: {  	v1 =	vld [tilespmem:s22+$0xFFFFFFD0]  }
0x42: {  	s21 =	sshrl.u32 s21, $0x2;
	v5 =	vld [tilespmem:s22+$0xFFFFFFE0]  }
0x43: {  	v6 =	vld [tilespmem:s22+$0xFFFFFFF0];
	s24 =	sor.u32 $0x8000, s21  }
0x44: {  	s31 =	sand.u32 $0x1, s10;
	v4 =	vld [tilespmem:s22+$0x0];
	s23 =	sadd.s32 $0x0, s24  }
0x45: {  	v3 =	vld [tilespmem:s22+$0x10];
	s21 =	smul.u32 $0x10200, s31;
	[tilespmem:s23+$0x3870 ss:$0x81] =	vst.msk $0xffff, v0  }
0x46: {  	v2 =	vld [tilespmem:s22+$0x20];
	[tilespmem:s23+$0x810 ss:$0x81] =	vst.msk $0xffff, v1  }
0x47: {  	s21 =	sshrl.u32 s21, $0x2;
	v1 =	vld [tilespmem:s22+$0xFFFFFFC0];
	[tilespmem:s23+$0x1020 ss:$0x81] =	vst.msk $0xffff, v5;
	s22 =	sadd.s32 $0x80, s22  }
0x48: {  	s25 =	simm.s32 $0x4;
	s26 =	simm.s32 $0x8;
	s21 =	sor.u32 $0x8000, s21;
	[tilespmem:s23+$0x1830 ss:$0x81] =	vst.msk $0xffff, v6;
	v0 =	vld [tilespmem:s22+$0x30]  }
.LBB1_3:
0x49: {  	p1 =	sne.s32 s26, $0x1FC;
	v5 =	vld [tilespmem:s22+$0xFFFFFFD0];
	[tilespmem:s23+$0x2040 ss:$0x81] =	vst.msk $0xffff, v4  }
0x4a: {  	v6 =	vld [tilespmem:s22+$0xFFFFFFE0];
	[tilespmem:s23+$0x2850 ss:$0x81] =	vst.msk $0xffff, v3  }
0x4b: {  	s27 =	sshra.s32 s25, $0x2;
	s25 =	smov.u32 s26;
	v7 =	vld [tilespmem:s22+$0xFFFFFFF0];
	[tilespmem:s23+$0x3060 ss:$0x81] =	vst.msk $0xffff, v2  }
.Ltmp3:
0x4c: {  	v4 =	vld [tilespmem:s22+$0x0];
	[tilespmem:s23+$0x0 ss:$0x81] =	vst.msk $0xffff, v1;
	s23 =	sadd.s32 s27, s24;
	(pc) =	sbr.rel @p1 .LBB1_3-.Ltmp3, $4  }
0x4d: {  	v3 =	vld [tilespmem:s22+$0x10];
	[tilespmem:s23+$0x3870 ss:$0x81] =	vst.msk $0xffff, v0  }
0x4e: {  	[tilespmem:s23+$0x810 ss:$0x81] =	vst.msk $0xffff, v5;
	v2 =	vld [tilespmem:s22+$0x20]  }
0x4f: {  	v1 =	vld [tilespmem:s22+$0xFFFFFFC0];
	[tilespmem:s23+$0x1020 ss:$0x81] =	vst.msk $0xffff, v6;
	s22 =	sadd.s32 $0x80, s22  }
0x50: {  	s26 =	sadd.s32 $0x4, s26;
	v0 =	vld [tilespmem:s22+$0x30];
	[tilespmem:s23+$0x1830 ss:$0x81] =	vst.msk $0xffff, v7  }
0x51: {  	s26 =	sshll.u32 s11, $0x8  }
0x52: {  	s27 =	sshll.u32 s9, $0x3;
	s25 =	sshra.s32 s25, $0x2;
	p1 =	sgt.s32 s12, $0x3  }
0x53: {  	s28 =	sshra.s32 s12, $0x1F;
	s29 =	smov.u32 s11;
	s30 =	sshra.s32 s11, $0x1F  }
0x54: {  	p3 =	sgt.s32 s9, $0x80;
	s26 =	sand.u32 $0x3800, s26;
	s27 =	sand.u32 $0x3C00, s27  }
0x55: {  	s24 =	sadd.s32 s25, s24;
	s28 =	sand.u32 s28, s12;
	s31 =	sand.u32 s30, s11  }
0x56: {  	s25 =	sadd.s32 s26, s27;
	s26 =	smov.u32 s12;
	s27 =	sshll.u32 s11, $0x7  }
0x57: {  	s26 =	simm.s32 @!p1 $0x3;
	p1 =	sgt.s32 s11, $0x3F;
	s30 =	sand.u32 $0x300, s27  }
0x58: {  	s27 =	sand.u32 $0x80, s27;
	s26 =	ssub.s32 s26, s28;
	s29 =	simm.s32 @!p1 $0x3F  }
0x59: {  	s25 =	sor.u32 s30, s25;
	s28 =	ssub.s32 s29, s31;
	s31 =	sadd.s32 $0xFFFFFFFD, s26  }
0x5a: {  	s29 =	smov.u32 s9;
	s26 =	ssub.s32 $0x4, s26;
	s25 =	sshrl.u32 s25, $0x3  }
0x5b: {  	p2 =	sgt.s32 s31, $0x0;
	s30 =	sadd.s32 $0xFFFFFFC1, s28;
	s31 =	sshra.s32 s9, $0x1F  }
0x5c: {  	s29 =	simm.s32 @!p3 $0x80;
	s28 =	ssub.s32 $0x40, s28;
	p1 =	sgt.s32 s30, $0x0  }
0x5d: {  	v5 =	vld [tilespmem:s22+$0xFFFFFFD0];
	[tilespmem:s23+$0x2040 ss:$0x81] =	vst.msk $0xffff, v4;
	s30 =	sand.u32 s31, s9;
	s26 =	simm.s32 @p2 $0x0;
	p2 =	sgt.s32 s8, $0x4D  }
0x5e: {  	v58 =	vld [tilespmem:s22+$0xFFFFFFE0];
	[tilespmem:s23+$0x2850 ss:$0x81] =	vst.msk $0xffff, v3;
	s31 =	sshra.s32 s8, $0x1F;
	s29 =	ssub.s32 s29, s30;
	s28 =	simm.s32 @p1 $0x0  }
0x5f: {  	v59 =	vld [tilespmem:s22+$0xFFFFFFF0];
	[tilespmem:s23+$0x3060 ss:$0x81] =	vst.msk $0xffff, v2;
	s31 =	sand.u32 s31, s8;
	s30 =	sadd.s32 $0xFFFFFF80, s29;
	s26 =	smul.u32 s26, s28  }
0x60: {  	v60 =	vld [tilespmem:s22+$0x0];
	[tilespmem:s23+$0x0 ss:$0x81] =	vst.msk $0xffff, v1;
	s28 =	ssub.s32 $0x100, s29;
	p1 =	sgt.s32 s30, $0x7F;
	s30 =	smov.u32 s8  }
0x61: {  	v61 =	vld [tilespmem:s22+$0x10];
	[tilespmem:s24+$0x3870 ss:$0x81] =	vst.msk $0xffff, v0;
	s29 =	sshll.u32 s8, $0xB;
	s30 =	simm.s32 @!p2 $0x4D;
	s28 =	simm.s32 @p1 $0x0  }
0x62: {  	v62 =	vld [tilespmem:s22+$0x20];
	[tilespmem:s24+$0x810 ss:$0x81] =	vst.msk $0xffff, v5;
	s23 =	ssub.s32 s30, s31;
	s30 =	sand.u32 $0x78, s9;
	s26 =	smul.u32 s28, s26  }
0x63: {  	v63 =	vld [tilespmem:s22+$0xFFFFFFC0];
	[tilespmem:s24+$0x1020 ss:$0x81] =	vst.msk $0xffff, v58;
	s28 =	smul.u32 $0x66800, s12;
	s31 =	sadd.s32 $0xFFFFFFB3, s23;
	s22 =	ssub.s32 $0xCD, s23  }
0x64: {  	[tilespmem:s24+$0x1830 ss:$0x81] =	vst.msk $0xffff, v59;
	s27 =	sor.u32 s30, s27;
	s30 =	sand.u32 $0x7, s9;
	p1 =	sgt.s32 s31, $0x7F  }
.Ltmp4:
0x65: {  	[tilespmem:s24+$0x2040 ss:$0x81] =	vst.msk $0xffff, v60;
	s23 =	sadd.s32 s3, s28;
	s22 =	simm.s32 @p1 $0x0;
	(pc) =	sbr.rel .LBB1_5-.Ltmp4, $4  }
0x66: {  	[tilespmem:s24+$0x2850 ss:$0x81] =	vst.msk $0xffff, v61;
	s27 =	sshrl.u32 s27, $0x3;
	s23 =	sadd.s32 s29, s23;
	s22 =	smul.u32 s22, s26  }
0x67: {  	[tilespmem:s24+$0x3060 ss:$0x81] =	vst.msk $0xffff, v62;
	s25 =	sand.u32 $0x7E0, s25;
	s23 =	sadd.s32 s27, s23;
	s26 =	sshll.u32 s30, $0x12  }
0x68: {  	[tilespmem:s24+$0x0 ss:$0x81] =	vst.msk $0xffff, v63;
	s23 =	sadd.s32 s25, s23;
	s31 =	sor.u32 $0x80, s26;
	s22 =	sand.u32 $0x3FFFFFFF, s22  }
0x69: {  	[hbm4b:s23+s31] =	stream.strided.scatter [tilespmem:s21], [sflag:$0x2], s22, s7, s31, $0x20;
	[tilespmem:$0x10100] =	vst v63  }
.LBB1_6:
0x6a: {  	_ =	sfence.sel $0x180000  }
0x6b: {  	s2 =	simm.s32 $0x1;
	[bflag:$0x0] =	sbarrier.arrive $0xFFFF  }
0x6c: {  	s31 =	simm.s32 $0x2;
	[sflag:s2] =	ssyncpa.u1 $0x1  }
0x6d: {  	[sflag:s31] =	ssyncpa.u1 $0x1  }
0x6e: {  	p0 =	sne.s32 s1, $0x0;
	_ =	strace $0x90000059  }
0x6f: {  	s0 =	sadd.s32 @!p0 $0x100000, s0;
	[bflag:$0x2] =	sbarrier.arrive $0xFFFF  }
0x70: {  	[sflag:s0] =	ssyncadd.tile.s32 @!p0 $0x1;
	_ =	shalt  }
.Lfunc_end1:
_tile_overlayer_lowered:
.L_overlay_start_2:
0x71: {  	(tag) =	ssettag $0x2  }
0x72: {  	s0 =	rddreg [dreg:$0x0];
	s2 =	stileid.u32  }
0x73: {  	s1 =	rddreg [dreg:$0x1];
	p0 =	sne.s32 s2, $0x0  }
0x74: {  	s3 =	rddreg [dreg:$0x2];
	[bflag:$0x3] =	sbarrier.arrive $0xFFFF;
	s2 =	simm.s32 @!p0 $0x1C01  }
0x75: {  	[timem:s3], [sflag:s2] =	dma.local @!p0 [hbm:s0], s1  }
0x76: {  	s0 =	simm.s32 @!p0 $0x1  }
0x77: {  	_ =	swait.ge @!p0 [sflag:s0], s1  }
0x78: {  	s1 =	ssub.s32 @!p0 $0x0, s1;
	[sflag:s0] =	ssyncset.done @!p0 $0x0  }
0x79: {  	[sflag:s0] =	ssyncadd.s32 @!p0 s1  }
0x7a: {  	[bflag:$0x3] =	sbarrier.arrive $0xFFFF  }
0x7b: {  	_ =	shalt  }

// kernel: sparse-core-data-format-call.2.cloned.1.call-start
scs
called_computation.2_lowered:
.L_overlay_start_0:
0x0: {  	s2 =	sld [smem:$0x3FD9]  }
0x1: {  	s3 =	sld [smem:$0x3FFE];
	_ =	sdelay $0x1  }
0x2: {  	s1 =	srdreg.scid  }
0x3: {  	s0 =	sand.u32 $0x1, s1  }
0x4: {  	s18 =	sshll.u32 s0, $0xA;
	s2 =	sadd.s32 s3, s2  }
0x5: {  	s2 =	sadd.s32 s2, s18  }
0x6: {  	[smem:$0x3F7F] =	sst s2  }
0x7: {  	_ = 	snop  }
0x8: {  	(tm) =	ssettm $0x1  }
0x9: {  	s19 =	sld [smem:$0x3FFB];
	_ =	sdelay $0x3  }
0xa: {  	_ =	strace s19  }
0xb: {  	s2 =	sld [smem:$0x3FFC];
	_ =	sdelay $0x3  }
0xc: {  	_ =	strace s2  }
0xd: {  	s2 =	sld [smem:$0x3FFD];
	_ =	sdelay $0x3  }
0xe: {  	_ =	strace s2  }
0xf: {  	_ =	strace $0x8FFFFFFF  }
0x10: {  	s20 =	sld [smem:$0x3FDB];
	_ =	sdelay $0x1  }
0x11: {  	s21 =	simm.s32 $_scs_section_size  }
0x12: {  	s4 =	simm.s32 $_size__tile_overlayer_lowered;
	s5 =	simm.s32 $_tile_overlayer_lowered  }
0x13: {  	s6 =	simm.s32 $0x1BFF;
	s22 =	sshll.u32 s5, $0x1;
	s3 =	sadd.s32 s21, s20  }
0x14: {  	s23 =	simm.s32 $0x0;
	s4 =	sshll.u32 s4, $0x1;
	s5 =	sadd.s32 s22, s3  }
0x15: {  	[timem:s23], [sflag:s6] =	dma.local [hbm:s5], s4  }
0x16: {  	_ =	swait.ge [sflag:s6], s4  }
0x17: {  	s4 =	ssub.s32 $0x0, s4;
	[sflag:s6] =	ssyncset.done $0x0  }
0x18: {  	[sflag:s6] =	ssyncadd.s32 s4;
	_ =	sdelay $0x1  }
0x19: {  	s24 =	simm.s32 $0x1B8B  }
0x1a: {  	_ =	swait.ge [sflag:s24], $0x1  }
0x1b: {  	[sflag:s24] =	ssyncset.done $0x0  }
0x1c: {  	[sflag:s24] =	ssyncadd.s32 $0xFFFFFFFF  }
0x1d: {  	s4 =	sld [smem:$0x0]  }
0x1e: {  	s5 =	sand.u32 $0xFFFFFFFE, s1  }
0x1f: {  	p0 =	sne.s32 s1, s5  }
0x20: {  	s5 =	sshll.u32 @p0 s5, $0xE  }
0x21: {  	s5 =	sadd.s32 @p0 $0x11B8D, s5;
	s6 =	sshll.u32 @p0 s4, $0x11  }
0x22: {  	s5 =	sor.u32 @p0 s6, s5  }
0x23: {  	[sflag:s5] =	ssyncadd.remote.s32 @p0 $0x1;
	_ =	sdelay $0x1  }
0x24: {  	s5 =	simm.s32 @p0 $0x1B8D  }
0x25: {  	_ =	swait.eq @p0 [sflag:s5], $0x1  }
0x26: {  	[sflag:s5] =	ssyncadd.s32 @p0 $0xFFFFFFFF  }
0x27: {  	s6 =	sshll.u32 @!p0 s1, $0xE  }
0x28: {  	s6 =	sor.u32 @!p0 $0x4000, s6;
	s5 =	simm.s32 @!p0 $0x1B8D  }
0x29: {  	s4 =	sshll.u32 @!p0 s4, $0x11;
	s6 =	sadd.s32 @!p0 $0x11B8D, s6;
	_ =	swait.eq @!p0 [sflag:s5], $0x1  }
0x2a: {  	s4 =	sor.u32 @!p0 s4, s6;
	[sflag:s5] =	ssyncadd.s32 @!p0 $0xFFFFFFFF  }
0x2b: {  	s26 =	simm.s32 $0x1B8E;
	s25 =	sld [smem:$0x3FFE];
	[sflag:s4] =	ssyncadd.remote.s32 @!p0 $0x1  }
0x2c: {  	s27 =	simm.s32 $execute0_lowered;
	[smem:$0x3FD2] =	sst s26  }
0x2d: {  	s5 =	sshll.u32 s27, $0x1;
	_ =	strace $0x80000055;
	[dreg:$0x1] =	wrdreg $0xFFFFFFFF  }
0x2e: {  	s28 =	simm.s32 $_size_execute0_lowered;
	s3 =	sadd.s32 s3, s5;
	[dreg:$0x0] =	wrdreg $0x0  }
0x2f: {  	s5 =	sshll.u32 s28, $0x1;
	[dreg:$0x2] =	wrdreg s3  }
0x30: {  	[dreg:$0x3] =	wrdreg s5  }
0x31: {  	[dreg:$0x4] =	wrdreg $0xC0  }
0x32: {  	_ =	task [dreg:s23], $0x5FFFF  }
0x33: {  	[dreg:$0x1] =	wrdreg $0xFFFFFFFF  }
0x34: {  	[dreg:$0x0] =	wrdreg $0x60  }
0x35: {  	[dreg:$0x2] =	wrdreg s25  }
0x36: {  	[dreg:$0x3] =	wrdreg $0xA  }
0x37: {  	_ =	task.clear_ibuf [dreg:s23], $0x4FFFF;
	_ =	strace $0x90000055  }
0x38: {  	s29 =	simm.s32 $0xA;
	_ =	strace $0x80000057  }
0x39: {  	_ =	swait.ge [sflag:s29], $0x1  }
0x3a: {  	[sflag:s29] =	ssyncadd.s32 $0xFFFFFFFF  }
0x3b: {  	_ =	strace $0x90000057  }
0x3c: {  	_ =	sfence  }
0x3d: {  	s30 =	sld [smem:$0x0];
	_ =	sdelay $0x2  }
0x3e: {  	s31 =	sshll.u32 s1, $0xD;
	s1 =	sshrl.u32 s1, $0x2  }
0x3f: {  	s4 =	sand.u32 $0x4000, s31;
	s1 =	sadd.s32 s1, s30  }
0x40: {  	s0 =	sor.u32 s4, s0;
	s1 =	sshll.u32 s1, $0x11  }
0x41: {  	s0 =	sor.u32 s1, s0  }
0x42: {  	s0 =	sadd.s32 $0x8F2B, s0  }
0x43: {  	[sflag:s0] =	ssyncadd.remote.s32 $0x1  }
0x44: {  	_ =	sfence.sel $0xFFFF  }
0x45: {  	[dreg:$0x0] =	wrdreg $0xFFFFFFFF;
	(pc) =	sbr.abs _section_cstart, $3  }
0x46: {  	[dreg:$0x1] =	wrdreg $0xFFFFFFFF  }
0x47: {  	_ =	task.clear_ibuf [dreg:s23], $0x2FFFF;
	_ =	strace $0x9FFFFFFF  }
0x48: {  	(tm) =	ssettm $0x7FFFFFFF  }
0x49: {  	_ =	shalt  }
tec
execute0_lowered:
.L_overlay_start_1:
0x0: {  	(tag) =	ssettag $0x1  }
0x1: {  	s1 =	rddreg [dreg:$0x0]  }
0x2: {  	s0 =	rddreg [dreg:$0x1];
	s3 =	srdreg.scid;
	_ =	strace $0x80000056  }
0x3: {  	s5 =	simm.s32 $0x1;
	s8 =	simm.s32 $0x2;
	s17 =	simm.s32 $0x0  }
0x4: {  	p0 =	por $0x0, $0x0;
	s9 =	simm.s32 $0x800;
	s16 =	simm.s32 $0x0  }
0x5: {  	s15 =	simm.s32 $0x0;
	s18 =	simm.s32 $0x0;
	s11 =	simm.s32 $0x0  }
0x6: {  	s10 =	simm.s32 $0x0;
	s2 =	sadd.s32 $0x491800, s1;
	s4 =	sshll.u32 s3, $0x4  }
.Ltmp0:
0x7: {  	s3 =	sadd.s32 $0x62B800, s1;
	s1 =	stileid.u32;
	(pc) =	sbr.rel .LBB1_1-.Ltmp0, $4  }
0x8: {  	[sflag:s5] =	ssyncpa.u1 $0x0;
	s4 =	sand.u32 $0x10, s4;
	s7 =	sshll.u32 s1, $0x5  }
0x9: {  	[sflag:s8] =	ssyncpa.u1 $0x0;
	s8 =	simm.s32 $0x4000;
	s6 =	sor.u32 s1, s4  }
0xa: {  	s4 =	sand.u32 $0x3, s1;
	s7 =	sand.u32 $0x80, s7;
	s6 =	sshrl.u32 s6, $0x3  }
0xb: {  	s13 =	smov.u32 s7;
	s14 =	smov.u32 s4;
	s12 =	smov.u32 s6  }
.LBB1_3:
0xc: {  	p1 =	seq.s32 s10, $0x0  }
0xd: {  	p2 =	seq.s32 @!p1 s10, $0x21  }
0xe: {  	p1 =	por p1, p2  }
.Ltmp1:
0xf: {  	_ = 	snop;
	(pc) =	sbr.rel @!p1 .LBB1_4-.Ltmp1, $1  }
0x10: {  	_ =	sdelay $0x3  }
.LBB1_7:
0x11: {  	s19 =	sadd.s32 $0x80, s11  }
0x12: {  	s15 =	sadd.s32 $0x4, s12;
	s20 =	smov.u32 s12;
	p2 =	sgt.s32 s19, $0xFF  }
0x13: {  	s20 =	smov.u32 @p2 s15  }
0x14: {  	s21 =	smov.u32 s13;
	s15 =	sadd.s32 $0x100, s13;
	p3 =	sgt.s32 s20, $0x3F  }
0x15: {  	s21 =	smov.u32 @p3 s15  }
0x16: {  	s22 =	smov.u32 s14;
	s15 =	sadd.s32 $0x4, s14;
	p4 =	sgt.s32 s21, $0xCC  }
0x17: {  	p1 =	slt.u32 s10, $0x2;
	s22 =	smov.u32 @p4 s15  }
0x18: {  	s10 =	sadd.s32 $0x1, s10;
	s19 =	simm.s32 @p2 $0x0;
	p2 =	sgt.s32 s22, $0x3  }
0x19: {  	s17 =	smov.u32 s11;
	s22 =	smov.u32 @p2 s4;
	p2 =	sne.s32 s10, $0x22  }
.Ltmp2:
0x1a: {  	s16 =	smov.u32 s12;
	s23 =	simm.s32 @!p1 $0x2;
	(pc) =	sbr.rel @!p2 .LBB1_8-.Ltmp2, $4  }
0x1b: {  	s18 =	smov.u32 s14;
	p0 =	por !p0, !p0;
	_ =	swait.ge @!p1 [sflag:s23], $0x4000  }
0x1c: {  	[sflag:s23] =	ssyncset.done @!p1 $0x0;
	s11 =	smov.u32 s19;
	s20 =	smov.u32 @p3 s6  }
0x1d: {  	[sflag:s23] =	ssyncadd.s32 @!p1 $0xFFFFC000;
	s12 =	smov.u32 s20;
	s21 =	smov.u32 @p4 s7  }
0x1e: {  	s15 =	smov.u32 s13;
	s13 =	smov.u32 s21;
	s14 =	smov.u32 s22  }
.LBB1_1:
0x1f: {  	p1 =	sgt.u32 s10, $0x1F  }
.Ltmp3:
0x20: {  	_ = 	snop;
	(pc) =	sbr.rel @p1 .LBB1_3-.Ltmp3, $1  }
0x21: {  	_ =	sdelay $0x3  }
0x22: {  	s19 =	sshll.u32 s12, $0x8;
	s20 =	sshll.u32 s11, $0x3  }
0x23: {  	s31 =	sshll.u32 s12, $0x7;
	p1 =	sgt.s32 s14, $0x3;
	s22 =	smov.u32 s14  }
0x24: {  	s23 =	sshra.s32 s14, $0x1F;
	s28 =	sshra.s32 s13, $0x1F;
	s25 =	sshra.s32 s12, $0x1F  }
0x25: {  	s29 =	sand.u32 $0x78, s11;
	s19 =	sand.u32 $0x3800, s19;
	s20 =	sand.u32 $0x3C00, s20  }
0x26: {  	s21 =	sand.u32 $0x300, s31;
	s22 =	simm.s32 @!p1 $0x3;
	s27 =	sand.u32 s23, s14  }
0x27: {  	p1 =	sgt.s32 s13, $0x4D;
	s23 =	sand.u32 s28, s13;
	s25 =	sand.u32 s25, s12  }
0x28: {  	s28 =	sshll.u32 s13, $0xB;
	s19 =	sadd.s32 s19, s20;
	s20 =	sand.u32 $0x80, s31  }
0x29: {  	s31 =	sshra.s32 s11, $0x1F;
	s19 =	sor.u32 s21, s19;
	s21 =	ssub.s32 s22, s27  }
0x2a: {  	s22 =	smov.u32 s13;
	s20 =	sor.u32 s29, s20;
	s27 =	smul.u32 $0x66800, s14  }
0x2b: {  	s29 =	sand.u32 $0x7, s11;
	s24 =	sadd.s32 $0xFFFFFFFD, s21;
	s22 =	simm.s32 @!p1 $0x4D  }
0x2c: {  	p1 =	sgt.s32 s12, $0x3F;
	s21 =	ssub.s32 $0x4, s21;
	s19 =	sshrl.u32 s19, $0x3  }
0x2d: {  	s20 =	sshrl.u32 s20, $0x3;
	s22 =	ssub.s32 s22, s23;
	s23 =	smov.u32 s12  }
0x2e: {  	s19 =	sand.u32 $0x7E0, s19;
	s26 =	sadd.s32 $0xFFFFFFB3, s22;
	s23 =	simm.s32 @!p1 $0x3F  }
0x2f: {  	p1 =	sgt.s32 s24, $0x0;
	s22 =	ssub.s32 $0xCD, s22;
	p2 =	sgt.s32 s26, $0x7F  }
0x30: {  	s23 =	ssub.s32 s23, s25;
	s21 =	simm.s32 @p1 $0x0;
	s22 =	simm.s32 @p2 $0x0  }
0x31: {  	p2 =	sgt.s32 s11, $0x80;
	s21 =	smul.u32 s21, s22;
	s22 =	smov.u32 s11  }
0x32: {  	s24 =	sand.u32 s31, s11;
	s30 =	sadd.s32 $0xFFFFFFC1, s23;
	s22 =	simm.s32 @!p2 $0x80  }
0x33: {  	s23 =	ssub.s32 $0x40, s23;
	p1 =	sgt.s32 s30, $0x0;
	s22 =	ssub.s32 s22, s24  }
0x34: {  	s25 =	sxor.u32 $0xFFFFFFFF, s10;
	s23 =	simm.s32 @p1 $0x0;
	s26 =	sadd.s32 $0xFFFFFF80, s22  }
0x35: {  	s21 =	smul.u32 s23, s21;
	s22 =	ssub.s32 $0x100, s22;
	p1 =	sgt.s32 s26, $0x7F  }
.Ltmp4:
0x36: {  	s23 =	sadd.s32 s2, s27;
	s22 =	simm.s32 @p1 $0x0;
	(pc) =	sbr.rel .LBB1_3-.Ltmp4, $4  }
0x37: {  	s30 =	sshll.u32 s29, $0x12;
	s21 =	smul.u32 s22, s21;
	s22 =	sadd.s32 s28, s23  }
0x38: {  	s31 =	sor.u32 $0x80, s30;
	s24 =	sshll.u32 s25, $0xE;
	s20 =	sadd.s32 s20, s22  }
0x39: {  	s24 =	sand.u32 $0x4000, s24;
	s21 =	sand.u32 $0x3FFFFFFF, s21;
	s19 =	sadd.s32 s19, s20  }
0x3a: {  	[tilespmem:s24], [sflag:$0x1] =	stream.strided.gather [hbm4b:s19+s31], s21, s8, s31, $0x38;
	[tilespmem:$0x10100] =	vst v63  }
.LBB1_4:
0x3b: {  	p1 =	sgt.s32 s18, $0x3;
	s19 =	smov.u32 s18;
	s20 =	sshra.s32 s18, $0x1F  }
0x3c: {  	s21 =	smov.u32 s15;
	s22 =	sshra.s32 s15, $0x1F;
	s26 =	sshra.s32 s16, $0x1F  }
0x3d: {  	s19 =	simm.s32 @!p1 $0x3;
	s20 =	sand.u32 s20, s18;
	p1 =	sgt.s32 s15, $0x4D  }
0x3e: {  	s24 =	sand.u32 s22, s15;
	s19 =	ssub.s32 s19, s20;
	s21 =	simm.s32 @!p1 $0x4D  }
0x3f: {  	s28 =	sshra.s32 s17, $0x1F;
	s25 =	sadd.s32 $0xFFFFFFFD, s19;
	s20 =	ssub.s32 s21, s24  }
0x40: {  	s19 =	ssub.s32 $0x4, s19;
	p1 =	sgt.s32 s25, $0x0;
	s21 =	sadd.s32 $0xFFFFFFB3, s20  }
0x41: {  	s20 =	ssub.s32 $0xCD, s20;
	s19 =	simm.s32 @p1 $0x0;
	p1 =	sgt.s32 s21, $0x7F  }
0x42: {  	s21 =	smov.u32 s16;
	s20 =	simm.s32 @p1 $0x0;
	p1 =	sgt.s32 s16, $0x3F  }
0x43: {  	s27 =	sand.u32 s26, s16;
	s19 =	smul.u32 s19, s20;
	s21 =	simm.s32 @!p1 $0x3F  }
0x44: {  	p1 =	sgt.s32 s17, $0x80;
	s20 =	ssub.s32 s21, s27;
	s21 =	smov.u32 s17  }
0x45: {  	s22 =	sand.u32 s28, s17;
	s23 =	sadd.s32 $0xFFFFFFC1, s20;
	s21 =	simm.s32 @!p1 $0x80  }
0x46: {  	s20 =	ssub.s32 $0x40, s20;
	p1 =	sgt.s32 s23, $0x0;
	s21 =	ssub.s32 s21, s22  }
0x47: {  	s20 =	simm.s32 @p1 $0x0;
	s22 =	sadd.s32 $0xFFFFFF80, s21  }
0x48: {  	s19 =	smul.u32 s20, s19;
	p1 =	sgt.s32 s22, $0x7F;
	s20 =	ssub.s32 $0x100, s21  }
0x49: {  	s20 =	simm.s32 @p1 $0x0  }
0x4a: {  	s19 =	smul.u32 s20, s19;
	_ =	sdelay $0x1  }
0x4b: {  	s20 =	simm.s32 $0x1;
	s19 =	sand.u32 $0x3FFFFFFF, s19  }
0x4c: {  	s20 =	simm.s32 @!p0 $0x0;
	_ =	swait.ge [sflag:s5], s19  }
0x4d: {  	s29 =	sshll.u32 s20, $0xE;
	s19 =	ssub.s32 $0x0, s19;
	[sflag:s5] =	ssyncset.done $0x0  }
0x4e: {  	s21 =	sor.u32 $0x40, s29;
	[sflag:s5] =	ssyncadd.s32 s19  }
0x4f: {  	s30 =	smul.u32 $0x10200, s20;
	v0 =	vld [tilespmem:s21+$0x30]  }
0x50: {  	v3 =	vld [tilespmem:s21+$0xFFFFFFD0]  }
0x51: {  	s19 =	sshrl.u32 s30, $0x2;
	v4 =	vld [tilespmem:s21+$0xFFFFFFE0]  }
0x52: {  	s20 =	sor.u32 $0x8000, s19;
	v5 =	vld [tilespmem:s21+$0xFFFFFFF0]  }
0x53: {  	s31 =	sand.u32 $0x1, s10;
	v1 =	vld [tilespmem:s21+$0x0];
	s22 =	sadd.s32 $0x0, s20  }
0x54: {  	s19 =	smul.u32 $0x10200, s31;
	v2 =	vld [tilespmem:s21+$0x10];
	[tilespmem:s22+$0x3870 ss:$0x81] =	vst.msk $0xffff, v0  }
0x55: {  	[tilespmem:s22+$0x810 ss:$0x81] =	vst.msk $0xffff, v3;
	v3 =	vld [tilespmem:s21+$0x20]  }
0x56: {  	s19 =	sshrl.u32 s19, $0x2;
	v0 =	vld [tilespmem:s21+$0xFFFFFFC0];
	[tilespmem:s22+$0x1020 ss:$0x81] =	vst.msk $0xffff, v4;
	s21 =	sadd.s32 $0x80, s21  }
0x57: {  	s24 =	simm.s32 $0x8;
	s23 =	simm.s32 $0x4;
	s19 =	sor.u32 $0x8000, s19;
	[tilespmem:s22+$0x1830 ss:$0x81] =	vst.msk $0xffff, v5;
	v4 =	vld [tilespmem:s21+$0x30]  }
.LBB1_5:
0x58: {  	p1 =	sne.s32 s24, $0x1FC;
	v5 =	vld [tilespmem:s21+$0xFFFFFFD0];
	[tilespmem:s22+$0x2040 ss:$0x81] =	vst.msk $0xffff, v1  }
0x59: {  	v6 =	vld [tilespmem:s21+$0xFFFFFFE0];
	[tilespmem:s22+$0x2850 ss:$0x81] =	vst.msk $0xffff, v2  }
0x5a: {  	s25 =	sshra.s32 s23, $0x2;
	s23 =	smov.u32 s24;
	v7 =	vld [tilespmem:s21+$0xFFFFFFF0];
	[tilespmem:s22+$0x3060 ss:$0x81] =	vst.msk $0xffff, v3  }
.Ltmp5:
0x5b: {  	v1 =	vld [tilespmem:s21+$0x0];
	[tilespmem:s22+$0x0 ss:$0x81] =	vst.msk $0xffff, v0;
	s22 =	sadd.s32 s25, s20;
	(pc) =	sbr.rel @p1 .LBB1_5-.Ltmp5, $4  }
0x5c: {  	v2 =	vld [tilespmem:s21+$0x10];
	[tilespmem:s22+$0x3870 ss:$0x81] =	vst.msk $0xffff, v4  }
0x5d: {  	[tilespmem:s22+$0x810 ss:$0x81] =	vst.msk $0xffff, v5;
	v3 =	vld [tilespmem:s21+$0x20]  }
0x5e: {  	v0 =	vld [tilespmem:s21+$0xFFFFFFC0];
	[tilespmem:s22+$0x1020 ss:$0x81] =	vst.msk $0xffff, v6;
	s21 =	sadd.s32 $0x80, s21  }
0x5f: {  	s24 =	sadd.s32 $0x4, s24;
	v4 =	vld [tilespmem:s21+$0x30];
	[tilespmem:s22+$0x1830 ss:$0x81] =	vst.msk $0xffff, v7  }
0x60: {  	v5 =	vld [tilespmem:s21+$0xFFFFFFD0];
	[tilespmem:s22+$0x2040 ss:$0x81] =	vst.msk $0xffff, v1  }
0x61: {  	v58 =	vld [tilespmem:s21+$0xFFFFFFE0];
	[tilespmem:s22+$0x2850 ss:$0x81] =	vst.msk $0xffff, v2  }
0x62: {  	s23 =	sshra.s32 s23, $0x2;
	v59 =	vld [tilespmem:s21+$0xFFFFFFF0];
	[tilespmem:s22+$0x3060 ss:$0x81] =	vst.msk $0xffff, v3  }
0x63: {  	v60 =	vld [tilespmem:s21+$0x0];
	s25 =	sand.u32 $0x78, s15;
	s20 =	sadd.s32 s23, s20;
	[tilespmem:s22+$0x0 ss:$0x81] =	vst.msk $0xffff, v0  }
0x64: {  	v61 =	vld [tilespmem:s21+$0x10];
	s26 =	sshll.u32 s17, $0x8;
	s24 =	sshll.u32 s15, $0x3;
	s27 =	sshll.u32 s17, $0x7;
	[tilespmem:s20+$0x3870 ss:$0x81] =	vst.msk $0xffff, v4  }
0x65: {  	v62 =	vld [tilespmem:s21+$0x20];
	s18 =	sshll.u32 s18, $0x13;
	s16 =	sshll.u32 s16, $0xD;
	s30 =	sand.u32 $0x7, s15;
	[tilespmem:s20+$0x810 ss:$0x81] =	vst.msk $0xffff, v5  }
0x66: {  	v63 =	vld [tilespmem:s21+$0xFFFFFFC0];
	s23 =	sand.u32 $0xF800, s26;
	s24 =	sand.u32 $0xFC00, s24;
	s29 =	sand.u32 $0x300, s27;
	[tilespmem:s20+$0x1020 ss:$0x81] =	vst.msk $0xffff, v58  }
0x67: {  	s17 =	sand.u32 $0x80, s27;
	s18 =	sadd.s32 s3, s18;
	s28 =	sadd.s32 s24, s23;
	[tilespmem:s20+$0x1830 ss:$0x81] =	vst.msk $0xffff, v59  }
.Ltmp6:
0x68: {  	s17 =	sor.u32 s25, s17;
	s21 =	sor.u32 s29, s28;
	[tilespmem:s20+$0x2040 ss:$0x81] =	vst.msk $0xffff, v60;
	(pc) =	sbr.rel .LBB1_7-.Ltmp6, $4  }
0x69: {  	s16 =	sadd.s32 s16, s18;
	s17 =	sshrl.u32 s17, $0x3;
	s21 =	sshrl.u32 s21, $0x3;
	[tilespmem:s20+$0x2850 ss:$0x81] =	vst.msk $0xffff, v61  }
0x6a: {  	s15 =	sshll.u32 s30, $0x12;
	s16 =	sadd.s32 s17, s16;
	[tilespmem:s20+$0x3060 ss:$0x81] =	vst.msk $0xffff, v62;
	s31 =	sand.u32 $0x1FE0, s21  }
0x6b: {  	s15 =	sor.u32 $0x400, s15;
	[tilespmem:s20+$0x0 ss:$0x81] =	vst.msk $0xffff, v63;
	s16 =	sadd.s32 s31, s16  }
0x6c: {  	[hbm4b:s16+s15] =	stream.strided.scatter [tilespmem:s19], [sflag:$0x2], $0x4000, s9, s15, $0x20;
	[tilespmem:$0x10100] =	vst v63  }
.LBB1_8:
0x6d: {  	_ =	sfence.sel $0x180000  }
0x6e: {  	s2 =	simm.s32 $0x1;
	[bflag:$0x0] =	sbarrier.arrive $0xFFFF  }
0x6f: {  	s31 =	simm.s32 $0x2;
	[sflag:s2] =	ssyncpa.u1 $0x1  }
0x70: {  	[sflag:s31] =	ssyncpa.u1 $0x1  }
0x71: {  	p0 =	sne.s32 s1, $0x0;
	_ =	strace $0x90000056  }
0x72: {  	s0 =	sadd.s32 @!p0 $0x100000, s0;
	[bflag:$0x2] =	sbarrier.arrive $0xFFFF  }
0x73: {  	[sflag:s0] =	ssyncadd.tile.s32 @!p0 $0x1;
	_ =	shalt  }
.Lfunc_end1:
_tile_overlayer_lowered:
.L_overlay_start_2:
0x74: {  	(tag) =	ssettag $0x2  }
0x75: {  	s0 =	rddreg [dreg:$0x0];
	s2 =	stileid.u32  }
0x76: {  	s1 =	rddreg [dreg:$0x1];
	p0 =	sne.s32 s2, $0x0  }
0x77: {  	s3 =	rddreg [dreg:$0x2];
	[bflag:$0x3] =	sbarrier.arrive $0xFFFF;
	s2 =	simm.s32 @!p0 $0x1C01  }
0x78: {  	[timem:s3], [sflag:s2] =	dma.local @!p0 [hbm:s0], s1  }
0x79: {  	s0 =	simm.s32 @!p0 $0x1  }
0x7a: {  	_ =	swait.ge @!p0 [sflag:s0], s1  }
0x7b: {  	s1 =	ssub.s32 @!p0 $0x0, s1;
	[sflag:s0] =	ssyncset.done @!p0 $0x0  }
0x7c: {  	[sflag:s0] =	ssyncadd.s32 @!p0 s1  }
0x7d: {  	[bflag:$0x3] =	sbarrier.arrive $0xFFFF  }
0x7e: {  	_ =	shalt  }

// kernel: sparse-core-data-format-call.3.cloned.1.call-start
scs
called_computation.3_lowered:
.L_overlay_start_0:
0x0: {  	s1 =	sld [smem:$0x3FD9]  }
0x1: {  	s2 =	sld [smem:$0x3FFE];
	_ =	sdelay $0x1  }
0x2: {  	s3 =	srdreg.scid  }
0x3: {  	s0 =	sand.u32 $0x1, s3  }
0x4: {  	s17 =	sshll.u32 s0, $0xA;
	s1 =	sadd.s32 s2, s1  }
0x5: {  	s1 =	sadd.s32 s1, s17  }
0x6: {  	[smem:$0x3F7F] =	sst s1  }
0x7: {  	_ = 	snop  }
0x8: {  	(tm) =	ssettm $0x1  }
0x9: {  	s18 =	sld [smem:$0x3FFB];
	_ =	sdelay $0x3  }
0xa: {  	_ =	strace s18  }
0xb: {  	s1 =	sld [smem:$0x3FFC];
	_ =	sdelay $0x3  }
0xc: {  	_ =	strace s1  }
0xd: {  	s1 =	sld [smem:$0x3FFD];
	_ =	sdelay $0x3  }
0xe: {  	_ =	strace s1  }
0xf: {  	_ =	strace $0x8FFFFFFF  }
0x10: {  	s19 =	sld [smem:$0x3FDB];
	_ =	sdelay $0x1  }
0x11: {  	s20 =	simm.s32 $_scs_section_size  }
0x12: {  	s4 =	simm.s32 $_size__tile_overlayer_lowered;
	s5 =	simm.s32 $_tile_overlayer_lowered  }
0x13: {  	s23 =	simm.s32 $0x1BFF;
	s22 =	sshll.u32 s5, $0x1;
	s1 =	sadd.s32 s20, s19  }
0x14: {  	s6 =	simm.s32 $0x0;
	s21 =	sshll.u32 s4, $0x1;
	s4 =	sadd.s32 s22, s1  }
0x15: {  	[timem:s6], [sflag:s23] =	dma.local [hbm:s4], s21  }
0x16: {  	_ =	swait.ge [sflag:s23], s21  }
0x17: {  	s2 =	ssub.s32 $0x0, s21;
	[sflag:s23] =	ssyncset.done $0x0  }
0x18: {  	[sflag:s23] =	ssyncadd.s32 s2;
	_ =	sdelay $0x1  }
0x19: {  	s24 =	simm.s32 $0x1B8B  }
0x1a: {  	_ =	swait.ge [sflag:s24], $0x1  }
0x1b: {  	[sflag:s24] =	ssyncset.done $0x0  }
0x1c: {  	s26 =	simm.s32 $0x1B8E;
	s25 =	sld [smem:$0x3FFE];
	[sflag:s24] =	ssyncadd.s32 $0xFFFFFFFF  }
0x1d: {  	s27 =	simm.s32 $execute0_lowered;
	[smem:$0x3FD2] =	sst s26  }
0x1e: {  	s4 =	sshll.u32 s27, $0x1;
	_ =	strace $0x8000004F;
	[dreg:$0x1] =	wrdreg $0xFFFFFFFF  }
0x1f: {  	s28 =	simm.s32 $_size_execute0_lowered;
	s1 =	sadd.s32 s1, s4;
	[dreg:$0x0] =	wrdreg $0x0  }
0x20: {  	s4 =	sshll.u32 s28, $0x1;
	[dreg:$0x2] =	wrdreg s1  }
0x21: {  	[dreg:$0x3] =	wrdreg s4  }
0x22: {  	[dreg:$0x4] =	wrdreg $0xC0  }
0x23: {  	_ =	task [dreg:s6], $0x5FFFF  }
0x24: {  	[dreg:$0x1] =	wrdreg $0xFFFFFFFF  }
0x25: {  	[dreg:$0x0] =	wrdreg $0x60  }
0x26: {  	[dreg:$0x2] =	wrdreg s25  }
0x27: {  	[dreg:$0x3] =	wrdreg $0xA  }
0x28: {  	_ =	task.clear_ibuf [dreg:s6], $0x4FFFF;
	_ =	strace $0x9000004F  }
0x29: {  	s29 =	simm.s32 $0xA;
	_ =	strace $0x80000051  }
0x2a: {  	_ =	swait.ge [sflag:s29], $0x1  }
0x2b: {  	[sflag:s29] =	ssyncadd.s32 $0xFFFFFFFF  }
0x2c: {  	_ =	strace $0x90000051  }
0x2d: {  	_ =	sfence  }
0x2e: {  	s30 =	sld [smem:$0x0];
	_ =	sdelay $0x2  }
0x2f: {  	s31 =	sshll.u32 s3, $0xD;
	s3 =	sshrl.u32 s3, $0x2  }
0x30: {  	s2 =	sand.u32 $0x4000, s31;
	s1 =	sadd.s32 s3, s30  }
0x31: {  	s0 =	sor.u32 s2, s0;
	s1 =	sshll.u32 s1, $0x11  }
0x32: {  	s0 =	sor.u32 s1, s0  }
0x33: {  	s0 =	sadd.s32 $0x8F2B, s0  }
0x34: {  	[sflag:s0] =	ssyncadd.remote.s32 $0x1  }
0x35: {  	_ =	sfence.sel $0xFFFF  }
0x36: {  	[dreg:$0x0] =	wrdreg $0xFFFFFFFF;
	(pc) =	sbr.abs _section_cstart, $3  }
0x37: {  	[dreg:$0x1] =	wrdreg $0xFFFFFFFF  }
0x38: {  	_ =	task.clear_ibuf [dreg:s6], $0x2FFFF;
	_ =	strace $0x9FFFFFFF  }
0x39: {  	(tm) =	ssettm $0x7FFFFFFF  }
tec
execute0_lowered:
.L_overlay_start_1:
0x0: {  	(tag) =	ssettag $0x1  }
0x1: {  	s3 =	rddreg [dreg:$0x0]  }
0x2: {  	s0 =	rddreg [dreg:$0x1]  }
0x3: {  	s1 =	srdreg.scid;
	_ =	strace $0x80000050;
	s7 =	simm.s32 $0x2  }
0x4: {  	s19 =	simm.s32 $0x0;
	p0 =	por $0x0, $0x0;
	s17 =	simm.s32 $0x0  }
0x5: {  	s18 =	simm.s32 $0x0;
	s20 =	simm.s32 $0x0;
	s8 =	simm.s32 $0x0  }
0x6: {  	s9 =	simm.s32 $0x0;
	s11 =	simm.s32 $0x0;
	s12 =	simm.s32 $0x0  }
0x7: {  	s13 =	simm.s32 $0x0;
	s14 =	simm.s32 $0x0;
	s10 =	simm.s32 $0x0  }
.Ltmp0:
0x8: {  	s4 =	sshll.u32 s1, $0x4;
	s2 =	sadd.s32 $0x6FEA00, s3;
	(pc) =	sbr.rel .LBB1_1-.Ltmp0, $4  }
0x9: {  	s1 =	stileid.u32;
	s3 =	sadd.s32 $0xDFEA00, s3;
	s4 =	sand.u32 $0x10, s4  }
0xa: {  	s5 =	sand.u32 $0x3, s1;
	s6 =	sor.u32 s1, s4;
	s4 =	simm.s32 $0x1  }
0xb: {  	s16 =	smov.u32 s5;
	[sflag:s4] =	ssyncpa.u1 $0x0;
	s6 =	sshrl.u32 s6, $0x2  }
0xc: {  	[sflag:s7] =	ssyncpa.u1 $0x0;
	s7 =	simm.s32 $0x2000;
	s15 =	smov.u32 s6  }
.LBB1_5:
0xd: {  	p1 =	slt.u32 s10, $0x2  }
0xe: {  	p2 =	sgt.s32 @!p1 s20, $0x3  }
0xf: {  	s21 =	smov.u32 s20;
	s22 =	sshra.s32 @!p1 s20, $0x1F;
	p2 =	por !p2, p1  }
0x10: {  	s23 =	smov.u32 s15;
	s20 =	sand.u32 @!p1 s22, s20;
	s21 =	simm.s32 @p2 $0x3  }
0x11: {  	s24 =	smov.u32 s16;
	s10 =	sadd.s32 $0x1, s10;
	s20 =	ssub.s32 @!p1 s21, s20  }
0x12: {  	s22 =	sshra.s32 @!p1 s19, $0x1F;
	p2 =	sgt.s32 @!p1 s19, $0x2B4;
	s21 =	sadd.s32 @!p1 $0xFFFFFFFD, s20  }
0x13: {  	p2 =	por !p2, p1;
	p3 =	sgt.s32 @!p1 s21, $0x0;
	s21 =	smov.u32 s19  }
0x14: {  	s20 =	ssub.s32 @!p1 $0x4, s20;
	s19 =	sand.u32 @!p1 s22, s19;
	s21 =	simm.s32 @p2 $0x2B4  }
0x15: {  	s22 =	sshra.s32 @!p1 s18, $0x1F;
	p2 =	sgt.s32 @!p1 s18, $0x3F;
	s19 =	ssub.s32 @!p1 s21, s19  }
0x16: {  	p2 =	por !p2, p1;
	s21 =	smov.u32 s18;
	s18 =	sand.u32 @!p1 s22, s18  }
0x17: {  	s21 =	simm.s32 @p2 $0x3F;
	p2 =	por !p3, p1;
	s22 =	sadd.s32 @!p1 $0xFFFFFD4C, s19  }
0x18: {  	s19 =	ssub.s32 @!p1 $0x334, s19;
	s18 =	ssub.s32 @!p1 s21, s18;
	s20 =	simm.s32 @!p2 $0x0  }
0x19: {  	p2 =	sgt.s32 @!p1 s22, $0x7F;
	s22 =	smov.u32 s14;
	s21 =	sadd.s32 @!p1 $0xFFFFFFC1, s18  }
0x1a: {  	s18 =	ssub.s32 @!p1 $0x40, s18;
	p3 =	sgt.s32 @!p1 s21, $0x0;
	s21 =	ssub.s32 @!p1 $0x0, s17  }
0x1b: {  	p2 =	por !p2, p1;
	p3 =	por !p3, p1;
	s17 =	smin.u32 @!p1 s17, s21  }
0x1c: {  	s21 =	sadd.s32 $0x80, s13;
	s18 =	simm.s32 @!p3 $0x0;
	p3 =	sgt.s32 @!p1 s17, $0x7F  }
0x1d: {  	s17 =	ssub.s32 @!p1 $0x80, s17;
	p3 =	por !p3, p1;
	s18 =	smul.u32 @!p1 s20, s18  }
0x1e: {  	s20 =	sadd.s32 $0x80, s14;
	s17 =	simm.s32 @!p3 $0x0;
	p3 =	sgt.s32 s21, $0x333  }
0x1f: {  	p0 =	por !p0, !p0;
	s19 =	simm.s32 @!p2 $0x0;
	s22 =	smov.u32 @p3 s20  }
0x20: {  	s17 =	smul.u32 @!p1 s17, s18;
	s18 =	sadd.s32 $0x8, s15;
	p2 =	sgt.s32 s22, $0x7F  }
0x21: {  	s25 =	simm.s32 @!p1 $0x2;
	s21 =	simm.s32 @p3 $0x0;
	s23 =	smov.u32 @p2 s18  }
0x22: {  	s20 =	smov.u32 s12;
	s18 =	sadd.s32 $0x4, s16;
	p3 =	sgt.s32 s23, $0x3F  }
0x23: {  	s12 =	smov.u32 s16;
	s17 =	smul.u32 @!p1 s19, s17;
	s24 =	smov.u32 @p3 s18  }
0x24: {  	s22 =	simm.s32 @p2 $0x0;
	s19 =	smov.u32 s8;
	p2 =	sgt.s32 s24, $0x3  }
0x25: {  	s8 =	smov.u32 s13;
	s24 =	smov.u32 @p2 s5;
	p2 =	sne.s32 s10, $0x3A  }
.Ltmp1:
0x26: {  	s13 =	smov.u32 s21;
	s17 =	sand.u32 @!p1 $0x3FFFFFFF, s17;
	(pc) =	sbr.rel @!p2 .LBB1_6-.Ltmp1, $4  }
0x27: {  	s23 =	smov.u32 @p3 s6;
	s18 =	smov.u32 s11;
	s11 =	smov.u32 s15  }
0x28: {  	_ =	swait.ge @!p1 [sflag:s25], s17;
	s26 =	ssub.s32 @!p1 $0x0, s17;
	s17 =	smov.u32 s9  }
0x29: {  	s9 =	smov.u32 s14;
	s14 =	smov.u32 s22;
	[sflag:s25] =	ssyncset.done @!p1 $0x0  }
0x2a: {  	s15 =	smov.u32 s23;
	[sflag:s25] =	ssyncadd.s32 @!p1 s26;
	s16 =	smov.u32 s24  }
.LBB1_1:
0x2b: {  	p1 =	sgt.u32 s10, $0x37  }
0x2c: {  	s21 =	sshrl.u32 @!p1 s14, $0x3  }
0x2d: {  	s22 =	sshll.u32 @!p1 s13, $0x3;
	s21 =	smul.u32 @!p1 $0x1C00, s21  }
0x2e: {  	s23 =	sshll.u32 @!p1 s14, $0x7;
	s22 =	sand.u32 @!p1 $0xFFFFFC00, s22  }
0x2f: {  	s21 =	sadd.s32 @!p1 s21, s22;
	s22 =	sand.u32 @!p1 $0x380, s23  }
0x30: {  	s21 =	sor.u32 @!p1 s22, s21  }
0x31: {  	s22 =	sshrl.u32 @!p1 s21, $0x7  }
0x32: {  	s22 =	smulhi.u32 @!p1 $0x24924925, s22  }
0x33: {  	s26 =	smul.u32 @!p1 $0xE0000, s16;
	s23 =	sxor.u32 @!p1 $0xFFFFFFFF, s10  }
0x34: {  	s25 =	sand.u32 @!p1 $0x7F, s13;
	s23 =	sshll.u32 @!p1 s23, $0xE;
	s24 =	smul.u32 @!p1 $0x380, s22  }
0x35: {  	s21 =	sor.u32 @!p1 s25, s21;
	s25 =	smul.u32 @!p1 $0x3800, s15;
	s22 =	sand.u32 @!p1 $0x7F, s22  }
0x36: {  	s22 =	smul.u32 @!p1 $0x70, s22;
	s21 =	ssub.s32 @!p1 s21, s24;
	s24 =	sadd.s32 @!p1 s2, s26  }
0x37: {  	s23 =	sand.u32 @!p1 $0x4000, s23;
	s24 =	sadd.s32 @!p1 s25, s24;
	s25 =	sand.u32 @!p1 $0x7, s21  }
0x38: {  	s21 =	sshrl.u32 @!p1 s21, $0x3;
	s22 =	sadd.s32 @!p1 s22, s24;
	s24 =	sshll.u32 @!p1 s25, $0x12  }
0x39: {  	s21 =	sadd.s32 @!p1 s21, s22;
	s22 =	sor.u32 @!p1 $0x400, s24;
	s24 =	simm.s32 @!p1 $0x1C00  }
0x3a: {  	[tilespmem:s23], [sflag:$0x1] =	stream.strided.gather @!p1 [hbm4b:s21+s22], $0x4000, s24, s22, $0x38;
	[tilespmem:$0x10100] =	vst v63  }
0x3b: {  	p1 =	seq.s32 s10, $0x0  }
0x3c: {  	p2 =	seq.s32 @!p1 s10, $0x39  }
0x3d: {  	p1 =	por p1, p2  }
.Ltmp2:
0x3e: {  	_ = 	snop;
	(pc) =	sbr.rel @p1 .LBB1_5-.Ltmp2, $1  }
0x3f: {  	_ =	sdelay $0x3  }
0x40: {  	s21 =	simm.s32 $0x1  }
0x41: {  	_ =	swait.ge [sflag:s4], $0x4000;
	s21 =	simm.s32 @!p0 $0x0  }
0x42: {  	[sflag:s4] =	ssyncset.done $0x0;
	s22 =	sshll.u32 s21, $0xE  }
0x43: {  	[sflag:s4] =	ssyncadd.s32 $0xFFFFC000;
	s22 =	sor.u32 $0x40, s22  }
0x44: {  	s21 =	smul.u32 $0x10200, s21;
	v0 =	vld [tilespmem:s22+$0x30]  }
0x45: {  	v1 =	vld [tilespmem:s22+$0xFFFFFFD0]  }
0x46: {  	s21 =	sshrl.u32 s21, $0x2;
	v5 =	vld [tilespmem:s22+$0xFFFFFFE0]  }
0x47: {  	v6 =	vld [tilespmem:s22+$0xFFFFFFF0];
	s24 =	sor.u32 $0x8000, s21  }
0x48: {  	s31 =	sand.u32 $0x1, s10;
	v4 =	vld [tilespmem:s22+$0x0];
	s23 =	sadd.s32 $0x0, s24  }
0x49: {  	v3 =	vld [tilespmem:s22+$0x10];
	s21 =	smul.u32 $0x10200, s31;
	[tilespmem:s23+$0x3870 ss:$0x81] =	vst.msk $0xffff, v0  }
0x4a: {  	v2 =	vld [tilespmem:s22+$0x20];
	[tilespmem:s23+$0x810 ss:$0x81] =	vst.msk $0xffff, v1  }
0x4b: {  	s21 =	sshrl.u32 s21, $0x2;
	v1 =	vld [tilespmem:s22+$0xFFFFFFC0];
	[tilespmem:s23+$0x1020 ss:$0x81] =	vst.msk $0xffff, v5;
	s22 =	sadd.s32 $0x80, s22  }
0x4c: {  	s25 =	simm.s32 $0x4;
	s26 =	simm.s32 $0x8;
	s21 =	sor.u32 $0x8000, s21;
	[tilespmem:s23+$0x1830 ss:$0x81] =	vst.msk $0xffff, v6;
	v0 =	vld [tilespmem:s22+$0x30]  }
.LBB1_3:
0x4d: {  	p1 =	sne.s32 s26, $0x1FC;
	v5 =	vld [tilespmem:s22+$0xFFFFFFD0];
	[tilespmem:s23+$0x2040 ss:$0x81] =	vst.msk $0xffff, v4  }
0x4e: {  	v6 =	vld [tilespmem:s22+$0xFFFFFFE0];
	[tilespmem:s23+$0x2850 ss:$0x81] =	vst.msk $0xffff, v3  }
0x4f: {  	s27 =	sshra.s32 s25, $0x2;
	s25 =	smov.u32 s26;
	v7 =	vld [tilespmem:s22+$0xFFFFFFF0];
	[tilespmem:s23+$0x3060 ss:$0x81] =	vst.msk $0xffff, v2  }
.Ltmp3:
0x50: {  	v4 =	vld [tilespmem:s22+$0x0];
	[tilespmem:s23+$0x0 ss:$0x81] =	vst.msk $0xffff, v1;
	s23 =	sadd.s32 s27, s24;
	(pc) =	sbr.rel @p1 .LBB1_3-.Ltmp3, $4  }
0x51: {  	v3 =	vld [tilespmem:s22+$0x10];
	[tilespmem:s23+$0x3870 ss:$0x81] =	vst.msk $0xffff, v0  }
0x52: {  	[tilespmem:s23+$0x810 ss:$0x81] =	vst.msk $0xffff, v5;
	v2 =	vld [tilespmem:s22+$0x20]  }
0x53: {  	v1 =	vld [tilespmem:s22+$0xFFFFFFC0];
	[tilespmem:s23+$0x1020 ss:$0x81] =	vst.msk $0xffff, v6;
	s22 =	sadd.s32 $0x80, s22  }
0x54: {  	s26 =	sadd.s32 $0x4, s26;
	v0 =	vld [tilespmem:s22+$0x30];
	[tilespmem:s23+$0x1830 ss:$0x81] =	vst.msk $0xffff, v7  }
0x55: {  	s25 =	sshra.s32 s25, $0x2;
	p1 =	sgt.s32 s12, $0x3  }
0x56: {  	s26 =	smov.u32 s12;
	s27 =	sshra.s32 s12, $0x1F;
	s28 =	sshll.u32 s9, $0x3  }
0x57: {  	s29 =	sshra.s32 s11, $0x1F;
	s31 =	sshra.s32 s8, $0x1F;
	s24 =	sadd.s32 s25, s24  }
0x58: {  	s25 =	sshll.u32 s11, $0x7;
	s26 =	simm.s32 @!p1 $0x3;
	s27 =	sand.u32 s27, s12  }
0x59: {  	p1 =	sgt.s32 s11, $0x3F;
	s29 =	sand.u32 s29, s11;
	s26 =	ssub.s32 s26, s27  }
0x5a: {  	s28 =	sand.u32 $0x1C00, s28;
	s27 =	smov.u32 s11;
	s30 =	sadd.s32 $0xFFFFFFFD, s26  }
0x5b: {  	s27 =	simm.s32 @!p1 $0x3F;
	s26 =	ssub.s32 $0x4, s26;
	p1 =	sgt.s32 s30, $0x0  }
0x5c: {  	s27 =	ssub.s32 s27, s29;
	s30 =	smov.u32 s8;
	s26 =	simm.s32 @p1 $0x0  }
0x5d: {  	p1 =	sgt.s32 s8, $0x2B4;
	s29 =	sadd.s32 $0xFFFFFFC1, s27;
	s27 =	ssub.s32 $0x40, s27  }
0x5e: {  	v5 =	vld [tilespmem:s22+$0xFFFFFFD0];
	[tilespmem:s23+$0x2040 ss:$0x81] =	vst.msk $0xffff, v4;
	p2 =	sgt.s32 s29, $0x0;
	s30 =	simm.s32 @!p1 $0x2B4;
	s29 =	sand.u32 s31, s8  }
0x5f: {  	v58 =	vld [tilespmem:s22+$0xFFFFFFE0];
	[tilespmem:s23+$0x2850 ss:$0x81] =	vst.msk $0xffff, v3;
	s31 =	ssub.s32 $0x0, s9;
	s27 =	simm.s32 @p2 $0x0;
	s29 =	ssub.s32 s30, s29  }
0x60: {  	v59 =	vld [tilespmem:s22+$0xFFFFFFF0];
	[tilespmem:s23+$0x3060 ss:$0x81] =	vst.msk $0xffff, v2;
	s30 =	smin.u32 s9, s31;
	s26 =	smul.u32 s26, s27;
	s27 =	sand.u32 $0x1C00, s25  }
0x61: {  	v60 =	vld [tilespmem:s22+$0x0];
	[tilespmem:s23+$0x0 ss:$0x81] =	vst.msk $0xffff, v1;
	s31 =	sadd.s32 $0xFFFFFD4C, s29;
	p1 =	sgt.s32 s30, $0x7F;
	s30 =	ssub.s32 $0x80, s30  }
0x62: {  	v61 =	vld [tilespmem:s22+$0x10];
	[tilespmem:s24+$0x3870 ss:$0x81] =	vst.msk $0xffff, v0;
	s25 =	sand.u32 $0x380, s25;
	s27 =	sadd.s32 s27, s28;
	s30 =	simm.s32 @p1 $0x0  }
0x63: {  	v62 =	vld [tilespmem:s22+$0x20];
	[tilespmem:s24+$0x810 ss:$0x81] =	vst.msk $0xffff, v5;
	p2 =	sgt.s32 s31, $0x7F;
	s28 =	smul.u32 s30, s26;
	s26 =	ssub.s32 $0x334, s29  }
0x64: {  	v63 =	vld [tilespmem:s22+$0xFFFFFFC0];
	[tilespmem:s24+$0x1020 ss:$0x81] =	vst.msk $0xffff, v58;
	s31 =	smul.u32 $0xCD000, s12;
	s30 =	sor.u32 s25, s27;
	s26 =	simm.s32 @p2 $0x0  }
0x65: {  	[tilespmem:s24+$0x1830 ss:$0x81] =	vst.msk $0xffff, v59;
	s29 =	sshrl.u32 s9, $0x3;
	s22 =	sshrl.u32 s30, $0x3;
	s23 =	smul.u32 s26, s28  }
.Ltmp4:
0x66: {  	[tilespmem:s24+$0x2040 ss:$0x81] =	vst.msk $0xffff, v60;
	s25 =	sadd.s32 s3, s31;
	s28 =	sshll.u32 s8, $0xA;
	(pc) =	sbr.rel .LBB1_5-.Ltmp4, $4  }
0x67: {  	[tilespmem:s24+$0x2850 ss:$0x81] =	vst.msk $0xffff, v61;
	s27 =	sand.u32 $0xF, s29;
	s30 =	sand.u32 $0x7, s9;
	s25 =	sadd.s32 s28, s25  }
0x68: {  	[tilespmem:s24+$0x3060 ss:$0x81] =	vst.msk $0xffff, v62;
	s22 =	sand.u32 $0x3F0, s22;
	s26 =	sshll.u32 s30, $0x12;
	s25 =	sadd.s32 s27, s25  }
0x69: {  	[tilespmem:s24+$0x0 ss:$0x81] =	vst.msk $0xffff, v63;
	s31 =	sor.u32 $0x80, s26;
	s23 =	sand.u32 $0x3FFFFFFF, s23;
	s22 =	sadd.s32 s22, s25  }
0x6a: {  	[hbm4b:s22+s31] =	stream.strided.scatter [tilespmem:s21], [sflag:$0x2], s23, s7, s31, $0x20;
	[tilespmem:$0x10100] =	vst v63  }
.LBB1_6:
0x6b: {  	_ =	sfence.sel $0x180000  }
0x6c: {  	s2 =	simm.s32 $0x1;
	[bflag:$0x0] =	sbarrier.arrive $0xFFFF  }
0x6d: {  	s31 =	simm.s32 $0x2;
	[sflag:s2] =	ssyncpa.u1 $0x1  }
0x6e: {  	[sflag:s31] =	ssyncpa.u1 $0x1  }
0x6f: {  	p0 =	sne.s32 s1, $0x0;
	_ =	strace $0x90000050  }
0x70: {  	s0 =	sadd.s32 @!p0 $0x100000, s0;
	[bflag:$0x2] =	sbarrier.arrive $0xFFFF  }
0x71: {  	[sflag:s0] =	ssyncadd.tile.s32 @!p0 $0x1;
	_ =	shalt  }
.Lfunc_end1:
_tile_overlayer_lowered:
.L_overlay_start_2:
0x72: {  	(tag) =	ssettag $0x2  }
0x73: {  	s0 =	rddreg [dreg:$0x0];
	s2 =	stileid.u32  }
0x74: {  	s1 =	rddreg [dreg:$0x1];
	p0 =	sne.s32 s2, $0x0  }
0x75: {  	s3 =	rddreg [dreg:$0x2];
	[bflag:$0x3] =	sbarrier.arrive $0xFFFF;
	s2 =	simm.s32 @!p0 $0x1C01  }
0x76: {  	[timem:s3], [sflag:s2] =	dma.local @!p0 [hbm:s0], s1  }
0x77: {  	s0 =	simm.s32 @!p0 $0x1  }
0x78: {  	_ =	swait.ge @!p0 [sflag:s0], s1  }
0x79: {  	s1 =	ssub.s32 @!p0 $0x0, s1;
	[sflag:s0] =	ssyncset.done @!p0 $0x0  }
0x7a: {  	[sflag:s0] =	ssyncadd.s32 @!p0 s1  }
0x7b: {  	[bflag:$0x3] =	sbarrier.arrive $0xFFFF  }
0x7c: {  	_ =	shalt  }

// kernel: sparse-core-data-format-call.4.cloned.1.call-start
scs
called_computation.4_lowered:
.L_overlay_start_0:
0x0: {  	s1 =	sld [smem:$0x3FD9]  }
0x1: {  	s2 =	sld [smem:$0x3FFE];
	_ =	sdelay $0x1  }
0x2: {  	s3 =	srdreg.scid  }
0x3: {  	s0 =	sand.u32 $0x1, s3  }
0x4: {  	s17 =	sshll.u32 s0, $0xA;
	s1 =	sadd.s32 s2, s1  }
0x5: {  	s1 =	sadd.s32 s1, s17  }
0x6: {  	[smem:$0x3F7F] =	sst s1  }
0x7: {  	_ = 	snop  }
0x8: {  	(tm) =	ssettm $0x1  }
0x9: {  	s18 =	sld [smem:$0x3FFB];
	_ =	sdelay $0x3  }
0xa: {  	_ =	strace s18  }
0xb: {  	s1 =	sld [smem:$0x3FFC];
	_ =	sdelay $0x3  }
0xc: {  	_ =	strace s1  }
0xd: {  	s1 =	sld [smem:$0x3FFD];
	_ =	sdelay $0x3  }
0xe: {  	_ =	strace s1  }
0xf: {  	_ =	strace $0x8FFFFFFF  }
0x10: {  	s19 =	sld [smem:$0x3FDB];
	_ =	sdelay $0x1  }
0x11: {  	s20 =	simm.s32 $_scs_section_size  }
0x12: {  	s4 =	simm.s32 $_size__tile_overlayer_lowered;
	s5 =	simm.s32 $_tile_overlayer_lowered  }
0x13: {  	s23 =	simm.s32 $0x1BFF;
	s22 =	sshll.u32 s5, $0x1;
	s1 =	sadd.s32 s20, s19  }
0x14: {  	s6 =	simm.s32 $0x0;
	s21 =	sshll.u32 s4, $0x1;
	s4 =	sadd.s32 s22, s1  }
0x15: {  	[timem:s6], [sflag:s23] =	dma.local [hbm:s4], s21  }
0x16: {  	_ =	swait.ge [sflag:s23], s21  }
0x17: {  	s2 =	ssub.s32 $0x0, s21;
	[sflag:s23] =	ssyncset.done $0x0  }
0x18: {  	[sflag:s23] =	ssyncadd.s32 s2;
	_ =	sdelay $0x1  }
0x19: {  	s24 =	simm.s32 $0x1B8B  }
0x1a: {  	_ =	swait.ge [sflag:s24], $0x1  }
0x1b: {  	[sflag:s24] =	ssyncset.done $0x0  }
0x1c: {  	s26 =	simm.s32 $0x1B8E;
	s25 =	sld [smem:$0x3FFE];
	[sflag:s24] =	ssyncadd.s32 $0xFFFFFFFF  }
0x1d: {  	s27 =	simm.s32 $execute0_lowered;
	[smem:$0x3FD2] =	sst s26  }
0x1e: {  	s4 =	sshll.u32 s27, $0x1;
	_ =	strace $0x8000004C;
	[dreg:$0x1] =	wrdreg $0xFFFFFFFF  }
0x1f: {  	s28 =	simm.s32 $_size_execute0_lowered;
	s1 =	sadd.s32 s1, s4;
	[dreg:$0x0] =	wrdreg $0x0  }
0x20: {  	s4 =	sshll.u32 s28, $0x1;
	[dreg:$0x2] =	wrdreg s1  }
0x21: {  	[dreg:$0x3] =	wrdreg s4  }
0x22: {  	[dreg:$0x4] =	wrdreg $0xC0  }
0x23: {  	_ =	task [dreg:s6], $0x5FFFF  }
0x24: {  	[dreg:$0x1] =	wrdreg $0xFFFFFFFF  }
0x25: {  	[dreg:$0x0] =	wrdreg $0x60  }
0x26: {  	[dreg:$0x2] =	wrdreg s25  }
0x27: {  	[dreg:$0x3] =	wrdreg $0x9  }
0x28: {  	_ =	task.clear_ibuf [dreg:s6], $0x4FFFF;
	_ =	strace $0x9000004C  }
0x29: {  	s29 =	simm.s32 $0x9;
	_ =	strace $0x8000004E  }
0x2a: {  	_ =	swait.ge [sflag:s29], $0x1  }
0x2b: {  	[sflag:s29] =	ssyncadd.s32 $0xFFFFFFFF  }
0x2c: {  	_ =	strace $0x9000004E  }
0x2d: {  	_ =	sfence  }
0x2e: {  	s30 =	sld [smem:$0x0];
	_ =	sdelay $0x2  }
0x2f: {  	s31 =	sshll.u32 s3, $0xD;
	s3 =	sshrl.u32 s3, $0x2  }
0x30: {  	s2 =	sand.u32 $0x4000, s31;
	s1 =	sadd.s32 s3, s30  }
0x31: {  	s0 =	sor.u32 s2, s0;
	s1 =	sshll.u32 s1, $0x11  }
0x32: {  	s0 =	sor.u32 s1, s0  }
0x33: {  	s0 =	sadd.s32 $0x8F2B, s0  }
0x34: {  	[sflag:s0] =	ssyncadd.remote.s32 $0x1  }
0x35: {  	_ =	sfence.sel $0xFFFF  }
0x36: {  	[dreg:$0x0] =	wrdreg $0xFFFFFFFF;
	(pc) =	sbr.abs _section_cstart, $3  }
0x37: {  	[dreg:$0x1] =	wrdreg $0xFFFFFFFF  }
0x38: {  	_ =	task.clear_ibuf [dreg:s6], $0x2FFFF;
	_ =	strace $0x9FFFFFFF  }
0x39: {  	(tm) =	ssettm $0x7FFFFFFF  }
tec
execute0_lowered:
.L_overlay_start_1:
0x0: {  	(tag) =	ssettag $0x1  }
0x1: {  	s3 =	rddreg [dreg:$0x0]  }
0x2: {  	s0 =	rddreg [dreg:$0x1]  }
0x3: {  	s1 =	srdreg.scid;
	_ =	strace $0x8000004D;
	s7 =	simm.s32 $0x2  }
0x4: {  	s12 =	simm.s32 $0x0;
	p0 =	por $0x0, $0x0;
	s13 =	simm.s32 $0x0  }
0x5: {  	s14 =	simm.s32 $0x0;
	s10 =	simm.s32 $0x0;
	s8 =	simm.s32 $0x0  }
.Ltmp0:
0x6: {  	s4 =	sshll.u32 s1, $0x4;
	s2 =	sadd.s32 $0x3CAA00, s3;
	(pc) =	sbr.rel .LBB1_1-.Ltmp0, $4  }
0x7: {  	s1 =	stileid.u32;
	s3 =	sadd.s32 $0x6FEA00, s3;
	s4 =	sand.u32 $0x10, s4  }
0x8: {  	s5 =	sand.u32 $0x3, s1;
	s6 =	sor.u32 s1, s4;
	s4 =	simm.s32 $0x1  }
0x9: {  	s11 =	smov.u32 s5;
	[sflag:s4] =	ssyncpa.u1 $0x0;
	s6 =	sshrl.u32 s6, $0x2  }
0xa: {  	[sflag:s7] =	ssyncpa.u1 $0x0;
	s7 =	simm.s32 $0x1C00;
	s9 =	smov.u32 s6  }
.LBB1_5:
0xb: {  	s15 =	sadd.s32 $0x8, s9  }
0xc: {  	s12 =	sadd.s32 $0x80, s10;
	s16 =	smov.u32 s10;
	p2 =	sgt.s32 s15, $0x3F  }
0xd: {  	s16 =	smov.u32 @p2 s12  }
0xe: {  	s18 =	smov.u32 s11;
	s12 =	sadd.s32 $0x4, s11;
	p3 =	sgt.s32 s16, $0x333  }
0xf: {  	p1 =	slt.u32 s8, $0x2;
	s18 =	smov.u32 @p3 s12  }
0x10: {  	s8 =	sadd.s32 $0x1, s8;
	s15 =	smov.u32 @p2 s6;
	p2 =	sgt.s32 s18, $0x3  }
0x11: {  	s18 =	smov.u32 @p2 s5;
	p2 =	sne.s32 s8, $0x3A  }
.Ltmp1:
0x12: {  	s17 =	simm.s32 @!p1 $0x2;
	(pc) =	sbr.rel @!p2 .LBB1_6-.Ltmp1, $4  }
0x13: {  	s13 =	smov.u32 s10;
	_ =	swait.ge @!p1 [sflag:s17], $0x4000  }
0x14: {  	s14 =	smov.u32 s11;
	p0 =	por !p0, !p0;
	[sflag:s17] =	ssyncset.done @!p1 $0x0  }
0x15: {  	s16 =	simm.s32 @p3 $0x0;
	s12 =	smov.u32 s9;
	[sflag:s17] =	ssyncadd.s32 @!p1 $0xFFFFC000  }
0x16: {  	s9 =	smov.u32 s15;
	s10 =	smov.u32 s16;
	s11 =	smov.u32 s18  }
.LBB1_1:
0x17: {  	p1 =	sgt.u32 s8, $0x37;
	s15 =	smov.u32 s11  }
0x18: {  	s18 =	smov.u32 s10;
	p2 =	sgt.s32 @!p1 s11, $0x3;
	s16 =	sxor.u32 @!p1 $0xFFFFFFFF, s8  }
0x19: {  	s17 =	sshra.s32 @!p1 s11, $0x1F;
	s19 =	sshra.s32 @!p1 s10, $0x1F;
	p2 =	por !p2, p1  }
0x1a: {  	s17 =	sand.u32 @!p1 s17, s11;
	s15 =	simm.s32 @p2 $0x3;
	p2 =	sgt.s32 @!p1 s10, $0x2B4  }
0x1b: {  	s19 =	sand.u32 @!p1 s19, s10;
	p2 =	por !p2, p1;
	s15 =	ssub.s32 @!p1 s15, s17  }
0x1c: {  	s18 =	simm.s32 @p2 $0x2B4;
	p2 =	sgt.s32 @!p1 s9, $0x3F;
	s15 =	sadd.s32 @!p1 $0xFFFFFFFD, s15  }
0x1d: {  	s17 =	ssub.s32 @!p1 s18, s19;
	p2 =	por !p2, p1;
	s19 =	smov.u32 s9  }
0x1e: {  	s18 =	sadd.s32 @!p1 $0xFFFFFD4C, s17;
	s19 =	simm.s32 @p2 $0x3F;
	p2 =	sgt.s32 @!p1 s15, $0x0  }
0x1f: {  	s15 =	sshll.u32 @!p1 s15, $0x7;
	p3 =	sgt.s32 @!p1 s18, $0x7F;
	s18 =	sshra.s32 @!p1 s9, $0x1F  }
0x20: {  	s17 =	ssub.s32 @!p1 $0x334, s17;
	s15 =	ssub.s32 @!p1 $0x80, s15;
	s18 =	sand.u32 @!p1 s18, s9  }
0x21: {  	p2 =	por !p2, p1;
	p3 =	por !p3, p1;
	s18 =	ssub.s32 @!p1 s19, s18  }
0x22: {  	s15 =	simm.s32 @!p2 $0x0;
	s17 =	simm.s32 @!p3 $0x0;
	s19 =	sadd.s32 @!p1 $0xFFFFFFC1, s18  }
0x23: {  	s16 =	sshll.u32 @!p1 s16, $0xE;
	s15 =	smul.u32 @!p1 s17, s15;
	p3 =	sgt.s32 @!p1 s19, $0x0  }
0x24: {  	s18 =	ssub.s32 @!p1 $0x40, s18;
	s17 =	smul.u32 @!p1 $0xCD000, s11;
	p2 =	por !p3, p1  }
0x25: {  	s16 =	sand.u32 @!p1 $0x4000, s16;
	s19 =	sshll.u32 @!p1 s9, $0x4;
	s18 =	simm.s32 @!p2 $0x0  }
0x26: {  	s17 =	sadd.s32 @!p1 s2, s17;
	s15 =	smul.u32 @!p1 s18, s15;
	s18 =	sshll.u32 @!p1 s10, $0xA  }
0x27: {  	s19 =	sand.u32 @!p1 $0x3F0, s19;
	s17 =	sadd.s32 @!p1 s18, s17;
	s18 =	simm.s32 @!p1 $0x80  }
0x28: {  	s15 =	sand.u32 @!p1 $0x3FFFFF80, s15;
	s17 =	sadd.s32 @!p1 s19, s17;
	s19 =	simm.s32 @!p1 $0x2000  }
0x29: {  	[tilespmem:s16], [sflag:$0x1] =	stream.strided.gather @!p1 [hbm4b:s17+s18], s15, s19, s18, $0x38;
	[tilespmem:$0x10100] =	vst v63  }
0x2a: {  	p1 =	seq.s32 s8, $0x0  }
0x2b: {  	p2 =	seq.s32 @!p1 s8, $0x39  }
0x2c: {  	p1 =	por p1, p2  }
.Ltmp2:
0x2d: {  	_ = 	snop;
	(pc) =	sbr.rel @p1 .LBB1_5-.Ltmp2, $1  }
0x2e: {  	_ =	sdelay $0x3  }
0x2f: {  	p1 =	sgt.s32 s14, $0x3  }
0x30: {  	s15 =	smov.u32 s14;
	s16 =	sshra.s32 s14, $0x1F;
	s17 =	sshra.s32 s13, $0x1F  }
0x31: {  	p2 =	sgt.s32 s12, $0x3F;
	s15 =	simm.s32 @!p1 $0x3;
	s16 =	sand.u32 s16, s14  }
0x32: {  	s19 =	sshra.s32 s12, $0x1F;
	p1 =	sgt.s32 s13, $0x2B4;
	s15 =	ssub.s32 s15, s16  }
0x33: {  	s17 =	sand.u32 s17, s13;
	s16 =	smov.u32 s13;
	s15 =	sadd.s32 $0xFFFFFFFD, s15  }
0x34: {  	s27 =	sand.u32 s19, s12;
	s16 =	simm.s32 @!p1 $0x2B4;
	p1 =	sgt.s32 s15, $0x0  }
0x35: {  	s16 =	ssub.s32 s16, s17;
	s17 =	smov.u32 s12;
	s15 =	sshll.u32 s15, $0x7  }
0x36: {  	s18 =	sadd.s32 $0xFFFFFD4C, s16;
	s17 =	simm.s32 @!p2 $0x3F;
	s16 =	ssub.s32 $0x334, s16  }
0x37: {  	s15 =	ssub.s32 $0x80, s15;
	p2 =	sgt.s32 s18, $0x7F;
	s17 =	ssub.s32 s17, s27  }
0x38: {  	s15 =	simm.s32 @p1 $0x0;
	s16 =	simm.s32 @p2 $0x0;
	s18 =	sadd.s32 $0xFFFFFFC1, s17  }
0x39: {  	s17 =	ssub.s32 $0x40, s17;
	p1 =	sgt.s32 s18, $0x0;
	s15 =	smul.u32 s16, s15  }
0x3a: {  	s17 =	simm.s32 @p1 $0x0  }
0x3b: {  	s15 =	smul.u32 s17, s15;
	_ =	sdelay $0x1  }
0x3c: {  	s16 =	simm.s32 $0x1;
	s15 =	sand.u32 $0x3FFFFF80, s15  }
0x3d: {  	s16 =	simm.s32 @!p0 $0x0;
	_ =	swait.ge [sflag:s4], s15  }
0x3e: {  	s28 =	sshll.u32 s16, $0xE;
	s15 =	ssub.s32 $0x0, s15;
	[sflag:s4] =	ssyncset.done $0x0  }
0x3f: {  	s29 =	sor.u32 $0x40, s28;
	[sflag:s4] =	ssyncadd.s32 s15  }
0x40: {  	s30 =	smul.u32 $0x10200, s16;
	v0 =	vld [tilespmem:s29+$0x30]  }
0x41: {  	v1 =	vld [tilespmem:s29+$0xFFFFFFD0]  }
0x42: {  	s15 =	sshrl.u32 s30, $0x2;
	v5 =	vld [tilespmem:s29+$0xFFFFFFE0]  }
0x43: {  	s16 =	sor.u32 $0x8000, s15;
	v6 =	vld [tilespmem:s29+$0xFFFFFFF0]  }
0x44: {  	s31 =	sand.u32 $0x1, s8;
	v3 =	vld [tilespmem:s29+$0x0];
	s17 =	sadd.s32 $0x0, s16  }
0x45: {  	s15 =	smul.u32 $0x10200, s31;
	v4 =	vld [tilespmem:s29+$0x10];
	[tilespmem:s17+$0x3870 ss:$0x81] =	vst.msk $0xffff, v0  }
0x46: {  	v2 =	vld [tilespmem:s29+$0x20];
	[tilespmem:s17+$0x810 ss:$0x81] =	vst.msk $0xffff, v1  }
0x47: {  	s18 =	sadd.s32 $0x80, s29;
	s15 =	sshrl.u32 s15, $0x2;
	v0 =	vld [tilespmem:s29+$0xFFFFFFC0];
	[tilespmem:s17+$0x1020 ss:$0x81] =	vst.msk $0xffff, v5  }
0x48: {  	s20 =	simm.s32 $0x8;
	s19 =	simm.s32 $0x4;
	s15 =	sor.u32 $0x8000, s15;
	v1 =	vld [tilespmem:s18+$0x30];
	[tilespmem:s17+$0x1830 ss:$0x81] =	vst.msk $0xffff, v6  }
.LBB1_3:
0x49: {  	p1 =	sne.s32 s20, $0x1FC;
	v5 =	vld [tilespmem:s18+$0xFFFFFFD0];
	[tilespmem:s17+$0x2040 ss:$0x81] =	vst.msk $0xffff, v3  }
0x4a: {  	v6 =	vld [tilespmem:s18+$0xFFFFFFE0];
	[tilespmem:s17+$0x2850 ss:$0x81] =	vst.msk $0xffff, v4  }
0x4b: {  	s21 =	sshra.s32 s19, $0x2;
	s19 =	smov.u32 s20;
	v7 =	vld [tilespmem:s18+$0xFFFFFFF0];
	[tilespmem:s17+$0x3060 ss:$0x81] =	vst.msk $0xffff, v2  }
.Ltmp3:
0x4c: {  	v3 =	vld [tilespmem:s18+$0x0];
	[tilespmem:s17+$0x0 ss:$0x81] =	vst.msk $0xffff, v0;
	s17 =	sadd.s32 s21, s16;
	(pc) =	sbr.rel @p1 .LBB1_3-.Ltmp3, $4  }
0x4d: {  	v4 =	vld [tilespmem:s18+$0x10];
	[tilespmem:s17+$0x3870 ss:$0x81] =	vst.msk $0xffff, v1  }
0x4e: {  	[tilespmem:s17+$0x810 ss:$0x81] =	vst.msk $0xffff, v5;
	v2 =	vld [tilespmem:s18+$0x20]  }
0x4f: {  	v0 =	vld [tilespmem:s18+$0xFFFFFFC0];
	[tilespmem:s17+$0x1020 ss:$0x81] =	vst.msk $0xffff, v6;
	s18 =	sadd.s32 $0x80, s18  }
0x50: {  	s20 =	sadd.s32 $0x4, s20;
	v1 =	vld [tilespmem:s18+$0x30];
	[tilespmem:s17+$0x1830 ss:$0x81] =	vst.msk $0xffff, v7  }
0x51: {  	v5 =	vld [tilespmem:s18+$0xFFFFFFD0];
	[tilespmem:s17+$0x2040 ss:$0x81] =	vst.msk $0xffff, v3  }
0x52: {  	s20 =	sshll.u32 s13, $0x3;
	v58 =	vld [tilespmem:s18+$0xFFFFFFE0];
	[tilespmem:s17+$0x2850 ss:$0x81] =	vst.msk $0xffff, v4  }
0x53: {  	s19 =	sshra.s32 s19, $0x2;
	v59 =	vld [tilespmem:s18+$0xFFFFFFF0];
	s20 =	sand.u32 $0xFFFFFC00, s20;
	[tilespmem:s17+$0x3060 ss:$0x81] =	vst.msk $0xffff, v2  }
0x54: {  	v60 =	vld [tilespmem:s18+$0x0];
	s14 =	smul.u32 $0xE0000, s14;
	s16 =	sadd.s32 s19, s16;
	s21 =	sshrl.u32 s20, $0x7;
	[tilespmem:s17+$0x0 ss:$0x81] =	vst.msk $0xffff, v0  }
0x55: {  	v61 =	vld [tilespmem:s18+$0x10];
	s27 =	smulhi.u32 $0x24924925, s21;
	[tilespmem:s16+$0x3870 ss:$0x81] =	vst.msk $0xffff, v1  }
0x56: {  	v62 =	vld [tilespmem:s18+$0x20];
	s12 =	smul.u32 $0x3800, s12;
	[tilespmem:s16+$0x810 ss:$0x81] =	vst.msk $0xffff, v5  }
0x57: {  	v63 =	vld [tilespmem:s18+$0xFFFFFFC0];
	s29 =	sand.u32 $0x7F, s13;
	s28 =	smul.u32 $0x380, s27;
	[tilespmem:s16+$0x1020 ss:$0x81] =	vst.msk $0xffff, v58;
	s17 =	sand.u32 $0x7F, s27  }
0x58: {  	s13 =	sor.u32 s29, s20;
	[tilespmem:s16+$0x1830 ss:$0x81] =	vst.msk $0xffff, v59;
	s17 =	smul.u32 $0x70, s17  }
.Ltmp4:
0x59: {  	s14 =	sadd.s32 s3, s14;
	[tilespmem:s16+$0x2040 ss:$0x81] =	vst.msk $0xffff, v60;
	s13 =	ssub.s32 s13, s28;
	(pc) =	sbr.rel .LBB1_5-.Ltmp4, $4  }
0x5a: {  	s12 =	sadd.s32 s12, s14;
	[tilespmem:s16+$0x2850 ss:$0x81] =	vst.msk $0xffff, v61;
	s30 =	sand.u32 $0x7, s13  }
0x5b: {  	[tilespmem:s16+$0x3060 ss:$0x81] =	vst.msk $0xffff, v62;
	s13 =	sshrl.u32 s13, $0x3;
	s12 =	sadd.s32 s17, s12;
	s14 =	sshll.u32 s30, $0x12  }
0x5c: {  	[tilespmem:s16+$0x0 ss:$0x81] =	vst.msk $0xffff, v63;
	s12 =	sadd.s32 s13, s12;
	s31 =	sor.u32 $0x400, s14  }
0x5d: {  	[hbm4b:s12+s31] =	stream.strided.scatter [tilespmem:s15], [sflag:$0x2], $0x4000, s7, s31, $0x20;
	[tilespmem:$0x10100] =	vst v63  }
.LBB1_6:
0x5e: {  	_ =	sfence.sel $0x180000  }
0x5f: {  	s2 =	simm.s32 $0x1;
	[bflag:$0x0] =	sbarrier.arrive $0xFFFF  }
0x60: {  	s31 =	simm.s32 $0x2;
	[sflag:s2] =	ssyncpa.u1 $0x1  }
0x61: {  	[sflag:s31] =	ssyncpa.u1 $0x1  }
0x62: {  	p0 =	sne.s32 s1, $0x0;
	_ =	strace $0x9000004D  }
0x63: {  	s0 =	sadd.s32 @!p0 $0x100000, s0;
	[bflag:$0x2] =	sbarrier.arrive $0xFFFF  }
0x64: {  	[sflag:s0] =	ssyncadd.tile.s32 @!p0 $0x1;
	_ =	shalt  }
.Lfunc_end1:
_tile_overlayer_lowered:
.L_overlay_start_2:
0x65: {  	(tag) =	ssettag $0x2  }
0x66: {  	s0 =	rddreg [dreg:$0x0];
	s2 =	stileid.u32  }
0x67: {  	s1 =	rddreg [dreg:$0x1];
	p0 =	sne.s32 s2, $0x0  }
0x68: {  	s3 =	rddreg [dreg:$0x2];
	[bflag:$0x3] =	sbarrier.arrive $0xFFFF;
	s2 =	simm.s32 @!p0 $0x1C01  }
0x69: {  	[timem:s3], [sflag:s2] =	dma.local @!p0 [hbm:s0], s1  }
0x6a: {  	s0 =	simm.s32 @!p0 $0x1  }
0x6b: {  	_ =	swait.ge @!p0 [sflag:s0], s1  }
0x6c: {  	s1 =	ssub.s32 @!p0 $0x0, s1;
	[sflag:s0] =	ssyncset.done @!p0 $0x0  }
0x6d: {  	[sflag:s0] =	ssyncadd.s32 @!p0 s1  }
0x6e: {  	[bflag:$0x3] =	sbarrier.arrive $0xFFFF  }
0x6f: {  	_ =	shalt  }

// kernel: sparse-core-data-format-call.5.cloned.1.call-start
scs
called_computation.5_lowered:
.L_overlay_start_0:
0x0: {  	s1 =	sld [smem:$0x3FD9]  }
0x1: {  	s2 =	sld [smem:$0x3FFE];
	_ =	sdelay $0x1  }
0x2: {  	s3 =	srdreg.scid  }
0x3: {  	s0 =	sand.u32 $0x1, s3  }
0x4: {  	s17 =	sshll.u32 s0, $0xA;
	s1 =	sadd.s32 s2, s1  }
0x5: {  	s1 =	sadd.s32 s1, s17  }
0x6: {  	[smem:$0x3F7F] =	sst s1  }
0x7: {  	_ = 	snop  }
0x8: {  	(tm) =	ssettm $0x1  }
0x9: {  	s18 =	sld [smem:$0x3FFB];
	_ =	sdelay $0x3  }
0xa: {  	_ =	strace s18  }
0xb: {  	s1 =	sld [smem:$0x3FFC];
	_ =	sdelay $0x3  }
0xc: {  	_ =	strace s1  }
0xd: {  	s1 =	sld [smem:$0x3FFD];
	_ =	sdelay $0x3  }
0xe: {  	_ =	strace s1  }
0xf: {  	_ =	strace $0x8FFFFFFF  }
0x10: {  	s19 =	sld [smem:$0x3FDB];
	_ =	sdelay $0x1  }
0x11: {  	s20 =	simm.s32 $_scs_section_size  }
0x12: {  	s4 =	simm.s32 $_size__tile_overlayer_lowered;
	s5 =	simm.s32 $_tile_overlayer_lowered  }
0x13: {  	s23 =	simm.s32 $0x1BFF;
	s22 =	sshll.u32 s5, $0x1;
	s1 =	sadd.s32 s20, s19  }
0x14: {  	s6 =	simm.s32 $0x0;
	s21 =	sshll.u32 s4, $0x1;
	s4 =	sadd.s32 s22, s1  }
0x15: {  	[timem:s6], [sflag:s23] =	dma.local [hbm:s4], s21  }
0x16: {  	_ =	swait.ge [sflag:s23], s21  }
0x17: {  	s2 =	ssub.s32 $0x0, s21;
	[sflag:s23] =	ssyncset.done $0x0  }
0x18: {  	[sflag:s23] =	ssyncadd.s32 s2;
	_ =	sdelay $0x1  }
0x19: {  	s24 =	simm.s32 $0x1B8B  }
0x1a: {  	_ =	swait.ge [sflag:s24], $0x1  }
0x1b: {  	[sflag:s24] =	ssyncset.done $0x0  }
0x1c: {  	s26 =	simm.s32 $0x1B8E;
	s25 =	sld [smem:$0x3FFE];
	[sflag:s24] =	ssyncadd.s32 $0xFFFFFFFF  }
0x1d: {  	s27 =	simm.s32 $execute0_lowered;
	[smem:$0x3FD2] =	sst s26  }
0x1e: {  	s4 =	sshll.u32 s27, $0x1;
	_ =	strace $0x80000049;
	[dreg:$0x1] =	wrdreg $0xFFFFFFFF  }
0x1f: {  	s28 =	simm.s32 $_size_execute0_lowered;
	s1 =	sadd.s32 s1, s4;
	[dreg:$0x0] =	wrdreg $0x0  }
0x20: {  	s4 =	sshll.u32 s28, $0x1;
	[dreg:$0x2] =	wrdreg s1  }
0x21: {  	[dreg:$0x3] =	wrdreg s4  }
0x22: {  	[dreg:$0x4] =	wrdreg $0xC0  }
0x23: {  	_ =	task [dreg:s6], $0x5FFFF  }
0x24: {  	[dreg:$0x1] =	wrdreg $0xFFFFFFFF  }
0x25: {  	[dreg:$0x0] =	wrdreg $0x60  }
0x26: {  	[dreg:$0x2] =	wrdreg s25  }
0x27: {  	[dreg:$0x3] =	wrdreg $0x9  }
0x28: {  	_ =	task.clear_ibuf [dreg:s6], $0x4FFFF;
	_ =	strace $0x90000049  }
0x29: {  	s29 =	simm.s32 $0x9;
	_ =	strace $0x8000004B  }
0x2a: {  	_ =	swait.ge [sflag:s29], $0x1  }
0x2b: {  	[sflag:s29] =	ssyncadd.s32 $0xFFFFFFFF  }
0x2c: {  	_ =	strace $0x9000004B  }
0x2d: {  	_ =	sfence  }
0x2e: {  	s30 =	sld [smem:$0x0];
	_ =	sdelay $0x2  }
0x2f: {  	s31 =	sshll.u32 s3, $0xD;
	s3 =	sshrl.u32 s3, $0x2  }
0x30: {  	s2 =	sand.u32 $0x4000, s31;
	s1 =	sadd.s32 s3, s30  }
0x31: {  	s0 =	sor.u32 s2, s0;
	s1 =	sshll.u32 s1, $0x11  }
0x32: {  	s0 =	sor.u32 s1, s0  }
0x33: {  	s0 =	sadd.s32 $0x8F2B, s0  }
0x34: {  	[sflag:s0] =	ssyncadd.remote.s32 $0x1  }
0x35: {  	_ =	sfence.sel $0xFFFF  }
0x36: {  	[dreg:$0x0] =	wrdreg $0xFFFFFFFF;
	(pc) =	sbr.abs _section_cstart, $3  }
0x37: {  	[dreg:$0x1] =	wrdreg $0xFFFFFFFF  }
0x38: {  	_ =	task.clear_ibuf [dreg:s6], $0x2FFFF;
	_ =	strace $0x9FFFFFFF  }
0x39: {  	(tm) =	ssettm $0x7FFFFFFF  }
tec
execute0_lowered:
.L_overlay_start_1:
0x0: {  	(tag) =	ssettag $0x1  }
0x1: {  	s0 =	srdreg.scid;
	s3 =	rddreg [dreg:$0x0]  }
0x2: {  	s31 =	simm.s32 $0x2;
	s15 =	simm.s32 $0x0;
	s10 =	simm.s32 $0x338000  }
0x3: {  	s11 =	simm.s32 $0x0;
	s14 =	simm.s32 $0x0;
	s1 =	sshll.u32 s0, $0x4  }
0x4: {  	s13 =	simm.s32 $0x0;
	s0 =	stileid.u32;
	s1 =	sand.u32 $0x10, s1  }
0x5: {  	s2 =	sshll.u32 s0, $0x6;
	s28 =	sshll.u32 s0, $0x3;
	s5 =	sor.u32 s0, s1  }
0x6: {  	s1 =	rddreg [dreg:$0x1];
	s6 =	sand.u32 $0x100, s2;
	s4 =	sshll.u32 s5, $0x7  }
0x7: {  	_ =	strace $0x8000004A;
	s7 =	sadd.s32 s6, s3;
	s2 =	sand.u32 $0xE00, s4  }
0x8: {  	s3 =	sadd.s32 $0x200A00, s3;
	s4 =	sand.u32 $0x18, s28;
	s29 =	ssub.s32 $0x1000, s2  }
0x9: {  	s30 =	sshll.u32 s5, $0x6;
	s9 =	ssub.s32 $0x330, s4;
	s8 =	sand.u32 $0xE00, s29  }
0xa: {  	s9 =	sshrl.u32 s9, $0x5;
	p0 =	sne.s32 s8, $0x0;
	s8 =	simm.s32 $0x1  }
.Ltmp0:
0xb: {  	s6 =	sshrl.u32 s29, $0xC;
	s8 =	simm.s32 @!p0 $0x0;
	(pc) =	sbr.rel .LBB1_1-.Ltmp0, $4  }
0xc: {  	s5 =	simm.s32 $0x1;
	s9 =	sadd.s32 $0x1, s9;
	s6 =	sadd.s32 s8, s6  }
0xd: {  	[sflag:s5] =	ssyncpa.u1 $0x0;
	s8 =	sand.u32 $0x600, s30;
	s6 =	smul.u32 s9, s6  }
0xe: {  	[sflag:s31] =	ssyncpa.u1 $0x0;
	s12 =	smov.u32 s4;
	s7 =	sadd.s32 s8, s7  }
0xf: {  	s9 =	simm.s32 $0x1000;
	s7 =	sadd.s32 $0x66A00, s7;
	s8 =	sadd.s32 $0x1, s6  }
.LBB1_7:
0x10: {  	s16 =	sadd.s32 $0x20, s12  }
0x11: {  	p1 =	sgt.s32 s16, $0x333  }
0x12: {  	s16 =	smov.u32 @p1 s4;
	p1 =	sne.s32 s13, s8  }
.Ltmp1:
0x13: {  	p0 =	slt.u32 s13, $0x2;
	(pc) =	sbr.rel @!p1 .LBB1_8-.Ltmp1, $4  }
0x14: {  	s15 =	simm.s32 @!p0 $0x2  }
0x15: {  	s17 =	sadd.s32 $0x1, s13;
	s14 =	smov.u32 s12;
	_ =	swait.ge @!p0 [sflag:s15], $0x4000  }
0x16: {  	s11 =	sadd.s32 $0x4000, s11;
	s13 =	smov.u32 s17;
	[sflag:s15] =	ssyncset.done @!p0 $0x0  }
0x17: {  	s12 =	smov.u32 s16;
	[sflag:s15] =	ssyncadd.s32 @!p0 $0xFFFFC000;
	s15 =	smov.u32 s2  }
.LBB1_1:
0x18: {  	p0 =	sge.u32 s13, s6  }
0x19: {  	p1 =	sgt.s32 @!p0 s12, $0x32C  }
0x1a: {  	s16 =	smov.u32 s12;
	s17 =	sshra.s32 @!p0 s12, $0x1F;
	p1 =	por !p1, p0  }
0x1b: {  	s17 =	sand.u32 @!p0 s17, s12;
	s16 =	simm.s32 @p1 $0x32C  }
0x1c: {  	s16 =	ssub.s32 @!p0 s16, s17  }
0x1d: {  	s31 =	sadd.s32 $0xFFFFFFFF, s13;
	s18 =	sxor.u32 @!p0 $0xFFFFFFFF, s13;
	s16 =	sadd.s32 @!p0 $0xFFFFFCD4, s16  }
0x1e: {  	s19 =	simm.s32 @!p0 $0x800;
	s20 =	simm.s32 @!p0 $0x4000;
	s17 =	sshll.u32 @!p0 s16, $0xB  }
0x1f: {  	p1 =	sgt.s32 @!p0 s16, $0x7;
	s16 =	ssub.s32 @!p0 $0x4000, s17;
	s17 =	sshll.u32 @!p0 s18, $0xE  }
0x20: {  	p1 =	por !p1, p0;
	s18 =	sshll.u32 @!p0 s12, $0xB;
	s16 =	sand.u32 @!p0 $0x3FFFF800, s16  }
0x21: {  	s17 =	sand.u32 @!p0 $0x4000, s17;
	s18 =	sadd.s32 @!p0 s18, s7;
	s16 =	simm.s32 @!p1 $0x0  }
0x22: {  	[tilespmem:s17], [sflag:$0x1] =	stream.strided.gather @!p0 [hbm4b:s18+s19], s16, s20, s19, $0x38;
	[tilespmem:$0x10000] =	vst v63  }
0x23: {  	p0 =	sge.u32 s31, s6  }
.Ltmp2:
0x24: {  	_ = 	snop;
	(pc) =	sbr.rel @p0 .LBB1_7-.Ltmp2, $1  }
0x25: {  	_ =	sdelay $0x3  }
0x26: {  	p0 =	sgt.s32 s14, $0x32C;
	s16 =	smov.u32 s14;
	s17 =	sshra.s32 s14, $0x1F  }
0x27: {  	s16 =	simm.s32 @!p0 $0x32C;
	s17 =	sand.u32 s17, s14  }
0x28: {  	s16 =	ssub.s32 s16, s17  }
0x29: {  	s16 =	sadd.s32 $0xFFFFFCD4, s16  }
0x2a: {  	s31 =	sshll.u32 s11, $0x2;
	s20 =	sshll.u32 s13, $0xE;
	s18 =	sshll.u32 s16, $0xB  }
0x2b: {  	s21 =	simm.s32 $0x0;
	s22 =	simm.s32 $0x0;
	s18 =	ssub.s32 $0x4000, s18  }
0x2c: {  	s17 =	sand.u32 $0x10000, s31;
	p0 =	sgt.s32 s16, $0x7;
	s16 =	sand.u32 $0x3FFFF800, s18  }
0x2d: {  	s20 =	sand.u32 $0x4000, s20;
	s19 =	sshrl.u32 s17, $0x2;
	s16 =	simm.s32 @p0 $0x0  }
0x2e: {  	s17 =	sor.u32 $0x400, s19;
	s18 =	sor.u32 $0x8000, s19;
	_ =	swait.ge [sflag:s5], s16  }
0x2f: {  	s19 =	sadd.s32 $0x8C00, s19;
	s16 =	ssub.s32 $0x0, s16;
	[sflag:s5] =	ssyncset.done $0x0  }
0x30: {  	[sflag:s5] =	ssyncadd.s32 s16;
	s16 =	sor.u32 $0x8000, s20;
	s20 =	simm.s32 $0x0  }
.LBB1_3:
0x31: {  	v0 =	vmov s18;
	v1 =	vld [tilespmem:s17+$0x270]  }
0x32: {  	v2 =	vld [tilespmem:s17+$0xFFFFFC10]  }
0x33: {  	v3 =	vld [tilespmem:s17+$0xFFFFFC20]  }
0x34: {  	s23 =	sshll.u32 s21, $0x2;
	s24 =	sand.u32 $0x3, s20;
	v4 =	vld [tilespmem:s17+$0xFFFFFC30]  }
0x35: {  	v5 =	vld [tilespmem:s17+$0xFFFFFC40];
	s25 =	sand.u32 $0xFFFFF800, s23;
	s24 =	sshll.u32 s24, $0x9;
	s23 =	simm.s32 $0x0  }
0x36: {  	v6 =	vld [tilespmem:s17+$0xFFFFFC50];
	s24 =	sor.u32 s24, s25;
	[tilespmem:v0+s23+$0xC70 ss:$0x1] =	vst.idx.msk $0xffff, v1  }
0x37: {  	v7 =	vld [tilespmem:s17+$0x220];
	s24 =	sshrl.u32 s24, $0x2;
	[tilespmem:v0+s23+$0x10 ss:$0x1] =	vst.idx.msk $0xffff, v2  }
0x38: {  	v8 =	vld [tilespmem:s17+$0x230];
	s24 =	sadd.s32 s24, s19;
	[tilespmem:v0+s23+$0x20 ss:$0x1] =	vst.idx.msk $0xffff, v3  }
0x39: {  	v1 =	vmov s24;
	[tilespmem:v0+s23+$0x30 ss:$0x1] =	vst.idx.msk $0xffff, v4;
	v4 =	vld [tilespmem:s17+$0xFFFFFE00]  }
0x3a: {  	[tilespmem:v0+s23+$0x40 ss:$0x1] =	vst.idx.msk $0xffff, v5;
	v5 =	vld [tilespmem:s17+$0xFFFFFE10]  }
0x3b: {  	[tilespmem:v0+s23+$0x50 ss:$0x1] =	vst.idx.msk $0xffff, v6;
	v6 =	vld [tilespmem:s17+$0xFFFFFE20]  }
0x3c: {  	v2 =	vld [tilespmem:s17+$0xFFFFFC60];
	[tilespmem:v0+s23+$0xC20 ss:$0x1] =	vst.idx.msk $0xffff, v7  }
0x3d: {  	v3 =	vld [tilespmem:s17+$0xFFFFFC70];
	[tilespmem:v0+s23+$0xC30 ss:$0x1] =	vst.idx.msk $0xffff, v8  }
0x3e: {  	[tilespmem:v1+s23+$0xFFFFF800 ss:$0x1] =	vst.idx.msk $0xffff, v4;
	v4 =	vld [tilespmem:s17+$0xFFFFFE50]  }
0x3f: {  	[tilespmem:v0+s23+$0x410 ss:$0x1] =	vst.idx.msk $0xffff, v5;
	v5 =	vld [tilespmem:s17+$0xFFFFFE60]  }
0x40: {  	[tilespmem:v0+s23+$0x420 ss:$0x1] =	vst.idx.msk $0xffff, v6;
	v6 =	vld [tilespmem:s17+$0xFFFFFE70]  }
0x41: {  	[tilespmem:v0+s23+$0x60 ss:$0x1] =	vst.idx.msk $0xffff, v2;
	v2 =	vld [tilespmem:s17+$0xFFFFFE30]  }
0x42: {  	[tilespmem:v0+s23+$0x70 ss:$0x1] =	vst.idx.msk $0xffff, v3;
	v3 =	vld [tilespmem:s17+$0xFFFFFE40]  }
0x43: {  	[tilespmem:v0+s23+$0x450 ss:$0x1] =	vst.idx.msk $0xffff, v4;
	v4 =	vld [tilespmem:s17+$0x20]  }
0x44: {  	[tilespmem:v0+s23+$0x460 ss:$0x1] =	vst.idx.msk $0xffff, v5;
	v5 =	vld [tilespmem:s17+$0x30]  }
0x45: {  	[tilespmem:v0+s23+$0x470 ss:$0x1] =	vst.idx.msk $0xffff, v6;
	v6 =	vld [tilespmem:s17+$0x40]  }
0x46: {  	[tilespmem:v0+s23+$0x430 ss:$0x1] =	vst.idx.msk $0xffff, v2;
	v2 =	vld [tilespmem:s17+$0x0]  }
0x47: {  	[tilespmem:v0+s23+$0x440 ss:$0x1] =	vst.idx.msk $0xffff, v3;
	v3 =	vld [tilespmem:s17+$0x10]  }
0x48: {  	[tilespmem:v0+s23+$0x820 ss:$0x1] =	vst.idx.msk $0xffff, v4;
	v4 =	vld [tilespmem:s17+$0x70]  }
0x49: {  	[tilespmem:v0+s23+$0x830 ss:$0x1] =	vst.idx.msk $0xffff, v5;
	v5 =	vld [tilespmem:s17+$0x200]  }
0x4a: {  	[tilespmem:v0+s23+$0x840 ss:$0x1] =	vst.idx.msk $0xffff, v6;
	v6 =	vld [tilespmem:s17+$0x210]  }
0x4b: {  	[tilespmem:v1+s23+$0xFFFFFC00 ss:$0x1] =	vst.idx.msk $0xffff, v2;
	v2 =	vld [tilespmem:s17+$0x50]  }
0x4c: {  	[tilespmem:v0+s23+$0x810 ss:$0x1] =	vst.idx.msk $0xffff, v3;
	v3 =	vld [tilespmem:s17+$0x60]  }
0x4d: {  	[tilespmem:v0+s23+$0x870 ss:$0x1] =	vst.idx.msk $0xffff, v4;
	v4 =	vld [tilespmem:s17+$0x240]  }
0x4e: {  	[tilespmem:v1+s23+$0x0 ss:$0x1] =	vst.idx.msk $0xffff, v5;
	v5 =	vld [tilespmem:s17+$0x250]  }
0x4f: {  	[tilespmem:v0+s23+$0xC10 ss:$0x1] =	vst.idx.msk $0xffff, v6;
	v6 =	vld [tilespmem:s17+$0x260]  }
0x50: {  	s24 =	sadd.s32 $0x80, s17;
	[tilespmem:v0+s23+$0x850 ss:$0x1] =	vst.idx.msk $0xffff, v2;
	v2 =	vld [tilespmem:s17+$0xFFFFFC00]  }
0x51: {  	s26 =	simm.s32 $0x8000;
	s25 =	simm.s32 $0x4000;
	[tilespmem:v0+s23+$0x860 ss:$0x1] =	vst.idx.msk $0xffff, v3;
	v3 =	vld [tilespmem:s24+$0x270]  }
.LBB1_4:
0x52: {  	p0 =	sne.s32 s26, $0xC000;
	v7 =	vld [tilespmem:s24+$0xFFFFFC10];
	[tilespmem:v0+s23+$0xC40 ss:$0x1] =	vst.idx.msk $0xffff, v4  }
0x53: {  	v4 =	vld [tilespmem:s24+$0xFFFFFC20];
	[tilespmem:v0+s23+$0xC50 ss:$0x1] =	vst.idx.msk $0xffff, v5  }
0x54: {  	v5 =	vld [tilespmem:s24+$0xFFFFFC30];
	[tilespmem:v0+s23+$0xC60 ss:$0x1] =	vst.idx.msk $0xffff, v6  }
0x55: {  	v6 =	vld [tilespmem:s24+$0xFFFFFC40];
	[tilespmem:v0+s23+$0x0 ss:$0x1] =	vst.idx.msk $0xffff, v2;
	s23 =	sshra.s32 s25, $0x2;
	s25 =	smov.u32 s26  }
0x56: {  	v2 =	vld [tilespmem:s24+$0xFFFFFC50];
	[tilespmem:v0+s23+$0xC70 ss:$0x1] =	vst.idx.msk $0xffff, v3  }
0x57: {  	[tilespmem:v0+s23+$0x10 ss:$0x1] =	vst.idx.msk $0xffff, v7;
	v3 =	vld [tilespmem:s24+$0xFFFFFC60]  }
0x58: {  	[tilespmem:v0+s23+$0x20 ss:$0x1] =	vst.idx.msk $0xffff, v4;
	v4 =	vld [tilespmem:s24+$0xFFFFFC70]  }
0x59: {  	[tilespmem:v0+s23+$0x30 ss:$0x1] =	vst.idx.msk $0xffff, v5;
	v5 =	vld [tilespmem:s24+$0xFFFFFE00]  }
0x5a: {  	[tilespmem:v0+s23+$0x40 ss:$0x1] =	vst.idx.msk $0xffff, v6;
	v6 =	vld [tilespmem:s24+$0xFFFFFE10]  }
0x5b: {  	[tilespmem:v0+s23+$0x50 ss:$0x1] =	vst.idx.msk $0xffff, v2;
	v2 =	vld [tilespmem:s24+$0xFFFFFE20]  }
0x5c: {  	[tilespmem:v0+s23+$0x60 ss:$0x1] =	vst.idx.msk $0xffff, v3;
	v3 =	vld [tilespmem:s24+$0xFFFFFE30]  }
0x5d: {  	[tilespmem:v0+s23+$0x70 ss:$0x1] =	vst.idx.msk $0xffff, v4;
	v4 =	vld [tilespmem:s24+$0xFFFFFE40]  }
0x5e: {  	[tilespmem:v1+s23+$0xFFFFF800 ss:$0x1] =	vst.idx.msk $0xffff, v5;
	v5 =	vld [tilespmem:s24+$0xFFFFFE50]  }
0x5f: {  	[tilespmem:v0+s23+$0x410 ss:$0x1] =	vst.idx.msk $0xffff, v6;
	v6 =	vld [tilespmem:s24+$0xFFFFFE60]  }
0x60: {  	[tilespmem:v0+s23+$0x420 ss:$0x1] =	vst.idx.msk $0xffff, v2;
	v2 =	vld [tilespmem:s24+$0xFFFFFE70]  }
0x61: {  	[tilespmem:v0+s23+$0x430 ss:$0x1] =	vst.idx.msk $0xffff, v3;
	v3 =	vld [tilespmem:s24+$0x0]  }
0x62: {  	[tilespmem:v0+s23+$0x440 ss:$0x1] =	vst.idx.msk $0xffff, v4;
	v4 =	vld [tilespmem:s24+$0x10]  }
0x63: {  	[tilespmem:v0+s23+$0x450 ss:$0x1] =	vst.idx.msk $0xffff, v5;
	v5 =	vld [tilespmem:s24+$0x20]  }
0x64: {  	[tilespmem:v0+s23+$0x460 ss:$0x1] =	vst.idx.msk $0xffff, v6;
	v6 =	vld [tilespmem:s24+$0x30]  }
0x65: {  	[tilespmem:v0+s23+$0x470 ss:$0x1] =	vst.idx.msk $0xffff, v2;
	v2 =	vld [tilespmem:s24+$0x40]  }
0x66: {  	[tilespmem:v1+s23+$0xFFFFFC00 ss:$0x1] =	vst.idx.msk $0xffff, v3;
	v3 =	vld [tilespmem:s24+$0x50]  }
0x67: {  	[tilespmem:v0+s23+$0x810 ss:$0x1] =	vst.idx.msk $0xffff, v4;
	v4 =	vld [tilespmem:s24+$0x60]  }
0x68: {  	[tilespmem:v0+s23+$0x820 ss:$0x1] =	vst.idx.msk $0xffff, v5;
	v5 =	vld [tilespmem:s24+$0x70]  }
0x69: {  	[tilespmem:v0+s23+$0x830 ss:$0x1] =	vst.idx.msk $0xffff, v6;
	v6 =	vld [tilespmem:s24+$0x200]  }
0x6a: {  	[tilespmem:v0+s23+$0x840 ss:$0x1] =	vst.idx.msk $0xffff, v2;
	v2 =	vld [tilespmem:s24+$0x210]  }
0x6b: {  	[tilespmem:v0+s23+$0x850 ss:$0x1] =	vst.idx.msk $0xffff, v3;
	v3 =	vld [tilespmem:s24+$0x220]  }
0x6c: {  	[tilespmem:v0+s23+$0x860 ss:$0x1] =	vst.idx.msk $0xffff, v4;
	v7 =	vld [tilespmem:s24+$0x230]  }
.Ltmp3:
0x6d: {  	[tilespmem:v0+s23+$0x870 ss:$0x1] =	vst.idx.msk $0xffff, v5;
	v4 =	vld [tilespmem:s24+$0x240];
	(pc) =	sbr.rel @p0 .LBB1_4-.Ltmp3, $4  }
0x6e: {  	[tilespmem:v1+s23+$0x0 ss:$0x1] =	vst.idx.msk $0xffff, v6;
	v5 =	vld [tilespmem:s24+$0x250]  }
0x6f: {  	[tilespmem:v0+s23+$0xC10 ss:$0x1] =	vst.idx.msk $0xffff, v2;
	v6 =	vld [tilespmem:s24+$0x260]  }
0x70: {  	v2 =	vld [tilespmem:s24+$0xFFFFFC00];
	[tilespmem:v0+s23+$0xC20 ss:$0x1] =	vst.idx.msk $0xffff, v3;
	s24 =	sadd.s32 $0x80, s24  }
0x71: {  	s26 =	sadd.s32 $0x4000, s26;
	v3 =	vld [tilespmem:s24+$0x270];
	[tilespmem:v0+s23+$0xC30 ss:$0x1] =	vst.idx.msk $0xffff, v7  }
0x72: {  	_ =	sdelay $0x3  }
0x73: {  	v7 =	vld [tilespmem:s24+$0xFFFFFC10];
	[tilespmem:v0+s23+$0xC40 ss:$0x1] =	vst.idx.msk $0xffff, v4  }
0x74: {  	v34 =	vld [tilespmem:s24+$0xFFFFFC20];
	[tilespmem:v0+s23+$0xC50 ss:$0x1] =	vst.idx.msk $0xffff, v5  }
0x75: {  	v35 =	vld [tilespmem:s24+$0xFFFFFC30];
	[tilespmem:v0+s23+$0xC60 ss:$0x1] =	vst.idx.msk $0xffff, v6  }
0x76: {  	s25 =	sshra.s32 s25, $0x2;
	v36 =	vld [tilespmem:s24+$0xFFFFFC40];
	[tilespmem:v0+s23+$0x0 ss:$0x1] =	vst.idx.msk $0xffff, v2  }
0x77: {  	v37 =	vld [tilespmem:s24+$0xFFFFFC50];
	[tilespmem:v0+s25+$0xC70 ss:$0x1] =	vst.idx.msk $0xffff, v3  }
0x78: {  	v38 =	vld [tilespmem:s24+$0xFFFFFC60];
	[tilespmem:v0+s25+$0x10 ss:$0x1] =	vst.idx.msk $0xffff, v7  }
0x79: {  	v39 =	vld [tilespmem:s24+$0xFFFFFC70];
	[tilespmem:v0+s25+$0x20 ss:$0x1] =	vst.idx.msk $0xffff, v34  }
0x7a: {  	v40 =	vld [tilespmem:s24+$0xFFFFFE00];
	[tilespmem:v0+s25+$0x30 ss:$0x1] =	vst.idx.msk $0xffff, v35  }
0x7b: {  	v41 =	vld [tilespmem:s24+$0xFFFFFE10];
	[tilespmem:v0+s25+$0x40 ss:$0x1] =	vst.idx.msk $0xffff, v36  }
0x7c: {  	v42 =	vld [tilespmem:s24+$0xFFFFFE20];
	[tilespmem:v0+s25+$0x50 ss:$0x1] =	vst.idx.msk $0xffff, v37  }
0x7d: {  	v43 =	vld [tilespmem:s24+$0xFFFFFE30];
	[tilespmem:v0+s25+$0x60 ss:$0x1] =	vst.idx.msk $0xffff, v38  }
0x7e: {  	v44 =	vld [tilespmem:s24+$0xFFFFFE40];
	[tilespmem:v0+s25+$0x70 ss:$0x1] =	vst.idx.msk $0xffff, v39  }
0x7f: {  	v45 =	vld [tilespmem:s24+$0xFFFFFE50];
	[tilespmem:v1+s25+$0xFFFFF800 ss:$0x1] =	vst.idx.msk $0xffff, v40  }
0x80: {  	v46 =	vld [tilespmem:s24+$0xFFFFFE60];
	[tilespmem:v0+s25+$0x410 ss:$0x1] =	vst.idx.msk $0xffff, v41  }
0x81: {  	v47 =	vld [tilespmem:s24+$0xFFFFFE70];
	[tilespmem:v0+s25+$0x420 ss:$0x1] =	vst.idx.msk $0xffff, v42  }
0x82: {  	v48 =	vld [tilespmem:s24+$0x0];
	[tilespmem:v0+s25+$0x430 ss:$0x1] =	vst.idx.msk $0xffff, v43  }
0x83: {  	v49 =	vld [tilespmem:s24+$0x10];
	[tilespmem:v0+s25+$0x440 ss:$0x1] =	vst.idx.msk $0xffff, v44  }
0x84: {  	v50 =	vld [tilespmem:s24+$0x20];
	[tilespmem:v0+s25+$0x450 ss:$0x1] =	vst.idx.msk $0xffff, v45  }
0x85: {  	v51 =	vld [tilespmem:s24+$0x30];
	[tilespmem:v0+s25+$0x460 ss:$0x1] =	vst.idx.msk $0xffff, v46  }
0x86: {  	v52 =	vld [tilespmem:s24+$0x40];
	[tilespmem:v0+s25+$0x470 ss:$0x1] =	vst.idx.msk $0xffff, v47  }
0x87: {  	v53 =	vld [tilespmem:s24+$0x50];
	[tilespmem:v1+s25+$0xFFFFFC00 ss:$0x1] =	vst.idx.msk $0xffff, v48  }
0x88: {  	v54 =	vld [tilespmem:s24+$0x60];
	[tilespmem:v0+s25+$0x810 ss:$0x1] =	vst.idx.msk $0xffff, v49  }
0x89: {  	v55 =	vld [tilespmem:s24+$0x70];
	[tilespmem:v0+s25+$0x820 ss:$0x1] =	vst.idx.msk $0xffff, v50  }
0x8a: {  	v56 =	vld [tilespmem:s24+$0x200];
	[tilespmem:v0+s25+$0x830 ss:$0x1] =	vst.idx.msk $0xffff, v51  }
0x8b: {  	v57 =	vld [tilespmem:s24+$0x210];
	[tilespmem:v0+s25+$0x840 ss:$0x1] =	vst.idx.msk $0xffff, v52  }
0x8c: {  	v58 =	vld [tilespmem:s24+$0x220];
	[tilespmem:v0+s25+$0x850 ss:$0x1] =	vst.idx.msk $0xffff, v53  }
0x8d: {  	v59 =	vld [tilespmem:s24+$0x230];
	[tilespmem:v0+s25+$0x860 ss:$0x1] =	vst.idx.msk $0xffff, v54  }
0x8e: {  	v60 =	vld [tilespmem:s24+$0x240];
	[tilespmem:v0+s25+$0x870 ss:$0x1] =	vst.idx.msk $0xffff, v55  }
0x8f: {  	v61 =	vld [tilespmem:s24+$0x250];
	[tilespmem:v1+s25+$0x0 ss:$0x1] =	vst.idx.msk $0xffff, v56  }
0x90: {  	v62 =	vld [tilespmem:s24+$0x260];
	s22 =	sadd.s32 $0x1, s22;
	[tilespmem:v0+s25+$0xC10 ss:$0x1] =	vst.idx.msk $0xffff, v57  }
0x91: {  	v63 =	vld [tilespmem:s24+$0xFFFFFC00];
	p0 =	sne.s32 s22, $0x8;
	[tilespmem:v0+s25+$0xC20 ss:$0x1] =	vst.idx.msk $0xffff, v58  }
.Ltmp4:
0x92: {  	[tilespmem:v0+s25+$0xC30 ss:$0x1] =	vst.idx.msk $0xffff, v59;
	(pc) =	sbr.rel @p0 .LBB1_3-.Ltmp4, $4  }
0x93: {  	[tilespmem:v0+s25+$0xC40 ss:$0x1] =	vst.idx.msk $0xffff, v60  }
0x94: {  	[tilespmem:v0+s25+$0xC50 ss:$0x1] =	vst.idx.msk $0xffff, v61  }
0x95: {  	s17 =	sadd.s32 $0x800, s17;
	[tilespmem:v0+s25+$0xC60 ss:$0x1] =	vst.idx.msk $0xffff, v62  }
0x96: {  	s21 =	sadd.s32 $0x80, s21;
	s20 =	sadd.s32 $0x1, s20;
	s18 =	sadd.s32 $0x80, s18;
	[tilespmem:v0+s25+$0x0 ss:$0x1] =	vst.idx.msk $0xffff, v63  }
0x97: {  	s17 =	sshll.u32 s14, $0xC  }
0x98: {  	s15 =	sshll.u32 s15, $0x3;
	s17 =	sand.u32 $0xFFFF8000, s17  }
0x99: {  	s15 =	sor.u32 s15, s17  }
0x9a: {  	s15 =	sshrl.u32 s15, $0xC  }
0x9b: {  	s30 =	smulhi.u32 $0x4F88B3, s15;
	_ =	sdelay $0x1  }
0x9c: {  	s17 =	smul.u32 $0x338, s30  }
.Ltmp5:
0x9d: {  	s31 =	sshll.u32 s14, $0x4;
	(pc) =	sbr.rel .LBB1_7-.Ltmp5, $4  }
0x9e: {  	s14 =	sand.u32 $0x70, s31;
	s15 =	ssub.s32 s15, s17  }
0x9f: {  	s14 =	sadd.s32 s3, s14;
	s15 =	sshll.u32 s15, $0x9  }
0xa0: {  	s14 =	sadd.s32 s15, s14  }
0xa1: {  	[hbm4b:s14+s9] =	stream.strided.scatter [tilespmem:s16], [sflag:$0x2], $0x4000, s10, s9, $0x38;
	[tilespmem:$0x10000] =	vst v63  }
.LBB1_8:
0xa2: {  	_ =	sfence.sel $0x180000  }
0xa3: {  	s2 =	simm.s32 $0x1;
	[bflag:$0x0] =	sbarrier.arrive $0xFFFF  }
0xa4: {  	s31 =	simm.s32 $0x2;
	[sflag:s2] =	ssyncpa.u1 $0x1  }
0xa5: {  	[sflag:s31] =	ssyncpa.u1 $0x1  }
0xa6: {  	p0 =	sne.s32 s0, $0x0;
	_ =	strace $0x9000004A  }
0xa7: {  	s0 =	sadd.s32 @!p0 $0x100000, s1;
	[bflag:$0x2] =	sbarrier.arrive $0xFFFF  }
0xa8: {  	[sflag:s0] =	ssyncadd.tile.s32 @!p0 $0x1;
	_ =	shalt  }
.Lfunc_end1:
_tile_overlayer_lowered:
.L_overlay_start_2:
0xa9: {  	(tag) =	ssettag $0x2  }
0xaa: {  	s0 =	rddreg [dreg:$0x0];
	s2 =	stileid.u32  }
0xab: {  	s1 =	rddreg [dreg:$0x1];
	p0 =	sne.s32 s2, $0x0  }
0xac: {  	s3 =	rddreg [dreg:$0x2];
	[bflag:$0x3] =	sbarrier.arrive $0xFFFF;
	s2 =	simm.s32 @!p0 $0x1C01  }
0xad: {  	[timem:s3], [sflag:s2] =	dma.local @!p0 [hbm:s0], s1  }
0xae: {  	s0 =	simm.s32 @!p0 $0x1  }
0xaf: {  	_ =	swait.ge @!p0 [sflag:s0], s1  }
0xb0: {  	s1 =	ssub.s32 @!p0 $0x0, s1;
	[sflag:s0] =	ssyncset.done @!p0 $0x0  }
0xb1: {  	[sflag:s0] =	ssyncadd.s32 @!p0 s1  }
0xb2: {  	[bflag:$0x3] =	sbarrier.arrive $0xFFFF  }
0xb3: {  	_ =	shalt  }

// kernel: sparse-core-data-format-call.cloned.1.call-start
scs
called_computation_lowered:
.L_overlay_start_0:
0x0: {  	s2 =	sld [smem:$0x3FD9]  }
0x1: {  	s3 =	sld [smem:$0x3FFE];
	_ =	sdelay $0x1  }
0x2: {  	s1 =	srdreg.scid  }
0x3: {  	s0 =	sand.u32 $0x1, s1  }
0x4: {  	s18 =	sshll.u32 s0, $0xA;
	s2 =	sadd.s32 s3, s2  }
0x5: {  	s2 =	sadd.s32 s2, s18  }
0x6: {  	[smem:$0x3F7F] =	sst s2  }
0x7: {  	_ = 	snop  }
0x8: {  	(tm) =	ssettm $0x1  }
0x9: {  	s19 =	sld [smem:$0x3FFB];
	_ =	sdelay $0x3  }
0xa: {  	_ =	strace s19  }
0xb: {  	s2 =	sld [smem:$0x3FFC];
	_ =	sdelay $0x3  }
0xc: {  	_ =	strace s2  }
0xd: {  	s2 =	sld [smem:$0x3FFD];
	_ =	sdelay $0x3  }
0xe: {  	_ =	strace s2  }
0xf: {  	_ =	strace $0x8FFFFFFF  }
0x10: {  	s20 =	sld [smem:$0x3FDB];
	_ =	sdelay $0x1  }
0x11: {  	s21 =	simm.s32 $_scs_section_size  }
0x12: {  	s4 =	simm.s32 $_size__tile_overlayer_lowered;
	s5 =	simm.s32 $_tile_overlayer_lowered  }
0x13: {  	s6 =	simm.s32 $0x1BFF;
	s22 =	sshll.u32 s5, $0x1;
	s3 =	sadd.s32 s21, s20  }
0x14: {  	s23 =	simm.s32 $0x0;
	s4 =	sshll.u32 s4, $0x1;
	s5 =	sadd.s32 s22, s3  }
0x15: {  	[timem:s23], [sflag:s6] =	dma.local [hbm:s5], s4  }
0x16: {  	_ =	swait.ge [sflag:s6], s4  }
0x17: {  	s4 =	ssub.s32 $0x0, s4;
	[sflag:s6] =	ssyncset.done $0x0  }
0x18: {  	[sflag:s6] =	ssyncadd.s32 s4;
	_ =	sdelay $0x1  }
0x19: {  	s24 =	simm.s32 $0x1B8B  }
0x1a: {  	_ =	swait.ge [sflag:s24], $0x1  }
0x1b: {  	[sflag:s24] =	ssyncset.done $0x0  }
0x1c: {  	[sflag:s24] =	ssyncadd.s32 $0xFFFFFFFF  }
0x1d: {  	s4 =	sld [smem:$0x0]  }
0x1e: {  	s5 =	sand.u32 $0xFFFFFFFE, s1  }
0x1f: {  	p0 =	sne.s32 s1, s5  }
0x20: {  	s5 =	sshll.u32 @p0 s5, $0xE  }
0x21: {  	s5 =	sadd.s32 @p0 $0x11B8D, s5;
	s6 =	sshll.u32 @p0 s4, $0x11  }
0x22: {  	s5 =	sor.u32 @p0 s6, s5  }
0x23: {  	[sflag:s5] =	ssyncadd.remote.s32 @p0 $0x1;
	_ =	sdelay $0x1  }
0x24: {  	s5 =	simm.s32 @p0 $0x1B8D  }
0x25: {  	_ =	swait.eq @p0 [sflag:s5], $0x1  }
0x26: {  	[sflag:s5] =	ssyncadd.s32 @p0 $0xFFFFFFFF  }
0x27: {  	s6 =	sshll.u32 @!p0 s1, $0xE  }
0x28: {  	s6 =	sor.u32 @!p0 $0x4000, s6;
	s5 =	simm.s32 @!p0 $0x1B8D  }
0x29: {  	s4 =	sshll.u32 @!p0 s4, $0x11;
	s6 =	sadd.s32 @!p0 $0x11B8D, s6;
	_ =	swait.eq @!p0 [sflag:s5], $0x1  }
0x2a: {  	s4 =	sor.u32 @!p0 s4, s6;
	[sflag:s5] =	ssyncadd.s32 @!p0 $0xFFFFFFFF  }
0x2b: {  	s26 =	simm.s32 $0x1B8E;
	s25 =	sld [smem:$0x3FFE];
	[sflag:s4] =	ssyncadd.remote.s32 @!p0 $0x1  }
0x2c: {  	s27 =	simm.s32 $execute0_lowered;
	[smem:$0x3FD2] =	sst s26  }
0x2d: {  	s5 =	sshll.u32 s27, $0x1;
	_ =	strace $0x80000052;
	[dreg:$0x1] =	wrdreg $0xFFFFFFFF  }
0x2e: {  	s28 =	simm.s32 $_size_execute0_lowered;
	s3 =	sadd.s32 s3, s5;
	[dreg:$0x0] =	wrdreg $0x0  }
0x2f: {  	s5 =	sshll.u32 s28, $0x1;
	[dreg:$0x2] =	wrdreg s3  }
0x30: {  	[dreg:$0x3] =	wrdreg s5  }
0x31: {  	[dreg:$0x4] =	wrdreg $0xC0  }
0x32: {  	_ =	task [dreg:s23], $0x5FFFF  }
0x33: {  	[dreg:$0x1] =	wrdreg $0xFFFFFFFF  }
0x34: {  	[dreg:$0x0] =	wrdreg $0x60  }
0x35: {  	[dreg:$0x2] =	wrdreg s25  }
0x36: {  	[dreg:$0x3] =	wrdreg $0x9  }
0x37: {  	_ =	task.clear_ibuf [dreg:s23], $0x4FFFF;
	_ =	strace $0x90000052  }
0x38: {  	s29 =	simm.s32 $0x9;
	_ =	strace $0x80000054  }
0x39: {  	_ =	swait.ge [sflag:s29], $0x1  }
0x3a: {  	[sflag:s29] =	ssyncadd.s32 $0xFFFFFFFF  }
0x3b: {  	_ =	strace $0x90000054  }
0x3c: {  	_ =	sfence  }
0x3d: {  	s30 =	sld [smem:$0x0];
	_ =	sdelay $0x2  }
0x3e: {  	s31 =	sshll.u32 s1, $0xD;
	s1 =	sshrl.u32 s1, $0x2  }
0x3f: {  	s4 =	sand.u32 $0x4000, s31;
	s1 =	sadd.s32 s1, s30  }
0x40: {  	s0 =	sor.u32 s4, s0;
	s1 =	sshll.u32 s1, $0x11  }
0x41: {  	s0 =	sor.u32 s1, s0  }
0x42: {  	s0 =	sadd.s32 $0x8F2B, s0  }
0x43: {  	[sflag:s0] =	ssyncadd.remote.s32 $0x1  }
0x44: {  	_ =	sfence.sel $0xFFFF  }
0x45: {  	[dreg:$0x0] =	wrdreg $0xFFFFFFFF;
	(pc) =	sbr.abs _section_cstart, $3  }
0x46: {  	[dreg:$0x1] =	wrdreg $0xFFFFFFFF  }
0x47: {  	_ =	task.clear_ibuf [dreg:s23], $0x2FFFF;
	_ =	strace $0x9FFFFFFF  }
0x48: {  	(tm) =	ssettm $0x7FFFFFFF  }
0x49: {  	_ =	shalt  }
tec
execute0_lowered:
.L_overlay_start_1:
0x0: {  	(tag) =	ssettag $0x1  }
0x1: {  	s0 =	stileid.u32;
	s1 =	srdreg.scid  }
0x2: {  	s4 =	rddreg [dreg:$0x0];
	s2 =	sshll.u32 s0, $0x5;
	s1 =	sshll.u32 s1, $0x9  }
0x3: {  	s5 =	simm.s32 $0x1;
	s8 =	simm.s32 $0x2;
	s1 =	sor.u32 s2, s1  }
0x4: {  	s14 =	simm.s32 $0x0;
	s9 =	simm.s32 $0xE00;
	s2 =	sand.u32 $0x380, s1  }
0x5: {  	s16 =	simm.s32 $0x0;
	s15 =	simm.s32 $0x0;
	s3 =	ssub.s32 $0x1000, s2  }
0x6: {  	s12 =	simm.s32 $0x0;
	s7 =	sand.u32 $0x3, s0;
	s31 =	sand.u32 $0x380, s3  }
0x7: {  	s13 =	simm.s32 $0x0;
	s11 =	smov.u32 s7;
	p0 =	sne.s32 s31, $0x0  }
.Ltmp0:
0x8: {  	s6 =	sshrl.u32 s3, $0xA;
	s5 =	simm.s32 @!p0 $0x0;
	(pc) =	sbr.rel .LBB1_1-.Ltmp0, $4  }
0x9: {  	s1 =	rddreg [dreg:$0x1];
	_ =	strace $0x80000053;
	s6 =	sadd.s32 s5, s6  }
0xa: {  	s10 =	smov.u32 s2;
	s5 =	simm.s32 $0x1;
	s6 =	smul.u32 $0x7, s6  }
0xb: {  	s3 =	sadd.s32 $0x133A00, s4;
	s4 =	sadd.s32 $0x1132A00, s4;
	[sflag:s5] =	ssyncpa.u1 $0x0  }
0xc: {  	p0 =	por $0x0, $0x0;
	[sflag:s8] =	ssyncpa.u1 $0x0;
	s8 =	sadd.s32 $0x1, s6  }
.LBB1_4:
0xd: {  	s22 =	sshrl.u32 s16, $0x2  }
0xe: {  	s23 =	sshll.u32 s15, $0x2;
	s22 =	smul.u32 $0xE00, s22  }
0xf: {  	v5 =	vld [tilespmem:s20+$0xFFFFFFD0];
	[tilespmem:s19+$0x2040 ss:$0x81] =	vst.msk $0xffff, v4;
	s24 =	sshll.u32 s16, $0x7;
	s23 =	sand.u32 $0xFFFFFE00, s23  }
0x10: {  	v58 =	vld [tilespmem:s20+$0xFFFFFFE0];
	[tilespmem:s19+$0x2850 ss:$0x81] =	vst.msk $0xffff, v3;
	s16 =	sand.u32 $0x180, s24;
	s22 =	sadd.s32 s23, s22  }
0x11: {  	s21 =	sshra.s32 s21, $0x2;
	v59 =	vld [tilespmem:s20+$0xFFFFFFF0];
	[tilespmem:s19+$0x3060 ss:$0x81] =	vst.msk $0xffff, v2;
	s16 =	sor.u32 s16, s22  }
0x12: {  	v60 =	vld [tilespmem:s20+$0x0];
	[tilespmem:s19+$0x0 ss:$0x81] =	vst.msk $0xffff, v0;
	s18 =	sadd.s32 s21, s18;
	s25 =	sshrl.u32 s16, $0x7  }
0x13: {  	v61 =	vld [tilespmem:s20+$0x10];
	[tilespmem:s18+$0x3870 ss:$0x81] =	vst.msk $0xffff, v1;
	s19 =	smulhi.u32 $0x24924925, s25  }
0x14: {  	v62 =	vld [tilespmem:s20+$0x20];
	[tilespmem:s18+$0x810 ss:$0x81] =	vst.msk $0xffff, v5  }
0x15: {  	v63 =	vld [tilespmem:s20+$0xFFFFFFC0];
	s26 =	sand.u32 $0x7F, s15;
	[tilespmem:s18+$0x1020 ss:$0x81] =	vst.msk $0xffff, v58;
	s27 =	smul.u32 $0x380, s19  }
0x16: {  	s14 =	smul.u32 $0x1C0, s14;
	[tilespmem:s18+$0x1830 ss:$0x81] =	vst.msk $0xffff, v59;
	s15 =	sor.u32 s26, s16;
	s28 =	sand.u32 $0x3, s19  }
0x17: {  	[tilespmem:s18+$0x2040 ss:$0x81] =	vst.msk $0xffff, v60;
	s16 =	smul.u32 $0x70, s28;
	s15 =	ssub.s32 s15, s27  }
0x18: {  	s14 =	sadd.s32 s4, s14;
	[tilespmem:s18+$0x2850 ss:$0x81] =	vst.msk $0xffff, v61;
	s29 =	sand.u32 $0x7, s15  }
0x19: {  	[tilespmem:s18+$0x3060 ss:$0x81] =	vst.msk $0xffff, v62;
	s15 =	sshrl.u32 s15, $0x3;
	s14 =	sadd.s32 s16, s14;
	s30 =	sshll.u32 s29, $0x12  }
0x1a: {  	[tilespmem:s18+$0x0 ss:$0x81] =	vst.msk $0xffff, v63;
	s14 =	sadd.s32 s15, s14;
	s31 =	sor.u32 $0x80, s30  }
0x1b: {  	[hbm4b:s14+s31] =	stream.strided.scatter [tilespmem:s17], [sflag:$0x2], $0x4000, s9, s31, $0x20;
	[tilespmem:$0x10100] =	vst v63  }
.LBB1_5:
0x1c: {  	s17 =	sadd.s32 $0x400, s10  }
0x1d: {  	s14 =	sadd.s32 $0x4, s11;
	s18 =	smov.u32 s11;
	p2 =	sgt.s32 s17, $0xFFF  }
0x1e: {  	s18 =	smov.u32 @p2 s14  }
0x1f: {  	s20 =	smov.u32 s12;
	s14 =	sadd.s32 $0x80, s12;
	p3 =	sgt.s32 s18, $0x3  }
0x20: {  	s20 =	smov.u32 @p3 s14  }
0x21: {  	s17 =	smov.u32 @p2 s2;
	p2 =	sgt.s32 s20, $0x333  }
0x22: {  	p1 =	slt.u32 s13, $0x2;
	s20 =	simm.s32 @p2 $0x0;
	p2 =	sne.s32 s13, s8  }
.Ltmp1:
0x23: {  	s19 =	simm.s32 @!p1 $0x2;
	(pc) =	sbr.rel @!p2 .LBB1_6-.Ltmp1, $4  }
0x24: {  	s16 =	smov.u32 s11;
	s15 =	smov.u32 s12;
	_ =	swait.ge @!p1 [sflag:s19], $0x4000  }
0x25: {  	p0 =	por !p0, !p0;
	[sflag:s19] =	ssyncset.done @!p1 $0x0;
	s18 =	smov.u32 @p3 s7  }
0x26: {  	s14 =	smov.u32 s10;
	[sflag:s19] =	ssyncadd.s32 @!p1 $0xFFFFC000;
	s10 =	smov.u32 s17  }
0x27: {  	s11 =	smov.u32 s18;
	s13 =	sadd.s32 $0x1, s13;
	s12 =	smov.u32 s20  }
.LBB1_1:
0x28: {  	p1 =	sge.u32 s13, s6;
	s19 =	smov.u32 s12  }
0x29: {  	s21 =	smov.u32 s10;
	s31 =	sadd.s32 $0xFFFFFFFF, s13;
	s17 =	sand.u32 @!p1 $0x78, s10  }
0x2a: {  	s18 =	sshll.u32 @!p1 s11, $0x7;
	p2 =	sgt.s32 @!p1 s12, $0x2B4;
	s20 =	sshra.s32 @!p1 s12, $0x1F  }
0x2b: {  	s18 =	sand.u32 @!p1 $0x180, s18;
	p2 =	por !p2, p1;
	s20 =	sand.u32 @!p1 s20, s12  }
0x2c: {  	s19 =	simm.s32 @p2 $0x2B4;
	p2 =	sgt.s32 @!p1 s11, $0x3;
	s17 =	sor.u32 @!p1 s18, s17  }
0x2d: {  	s18 =	ssub.s32 @!p1 s19, s20;
	p2 =	por !p2, p1;
	s19 =	smov.u32 s11  }
0x2e: {  	s20 =	sshra.s32 @!p1 s11, $0x1F;
	s19 =	simm.s32 @p2 $0x3;
	p2 =	sgt.s32 @!p1 s10, $0xF80  }
0x2f: {  	s22 =	sshra.s32 @!p1 s10, $0x1F;
	s20 =	sand.u32 @!p1 s20, s11;
	p2 =	por !p2, p1  }
0x30: {  	s19 =	ssub.s32 @!p1 s19, s20;
	s20 =	sand.u32 @!p1 s22, s10;
	s22 =	sadd.s32 @!p1 $0xFFFFFD4C, s18  }
0x31: {  	s18 =	ssub.s32 @!p1 $0x334, s18;
	s21 =	simm.s32 @p2 $0xF80;
	p2 =	sgt.s32 @!p1 s22, $0x7F  }
0x32: {  	s20 =	ssub.s32 @!p1 s21, s20;
	s21 =	sadd.s32 @!p1 $0xFFFFFFFD, s19;
	p2 =	por !p2, p1  }
0x33: {  	s19 =	ssub.s32 @!p1 $0x4, s19;
	p3 =	sgt.s32 @!p1 s21, $0x0;
	s21 =	sadd.s32 @!p1 $0xFFFFF080, s20  }
0x34: {  	p4 =	sgt.s32 @!p1 s21, $0x7F;
	s21 =	sshll.u32 @!p1 s10, $0x2;
	p3 =	por !p3, p1  }
0x35: {  	s18 =	simm.s32 @!p2 $0x0;
	s19 =	simm.s32 @!p3 $0x0;
	s21 =	sand.u32 @!p1 $0xE00, s21  }
0x36: {  	p2 =	por !p4, p1;
	s18 =	smul.u32 @!p1 s18, s19;
	s19 =	ssub.s32 @!p1 $0x1000, s20  }
0x37: {  	s20 =	sxor.u32 @!p1 $0xFFFFFFFF, s13;
	s17 =	sor.u32 @!p1 s21, s17;
	s19 =	simm.s32 @!p2 $0x0  }
0x38: {  	s21 =	sshrl.u32 @!p1 s10, $0x1;
	s18 =	smul.u32 @!p1 s19, s18;
	s19 =	sshll.u32 @!p1 s12, $0xB  }
0x39: {  	s20 =	sshll.u32 @!p1 s20, $0xE;
	s21 =	sand.u32 @!p1 $0x600, s21;
	s19 =	sadd.s32 @!p1 s3, s19  }
0x3a: {  	s17 =	sshrl.u32 @!p1 s17, $0x3;
	s19 =	sadd.s32 @!p1 s21, s19;
	s21 =	sand.u32 @!p1 $0x7, s10  }
0x3b: {  	s20 =	sand.u32 @!p1 $0x4000, s20;
	s18 =	sand.u32 @!p1 $0x3FFFFFFF, s18;
	s21 =	sshll.u32 @!p1 s21, $0x12  }
0x3c: {  	s17 =	sadd.s32 @!p1 s17, s19;
	s19 =	sor.u32 @!p1 $0x80, s21;
	s21 =	simm.s32 @!p1 $0x4000  }
0x3d: {  	[tilespmem:s20], [sflag:$0x1] =	stream.strided.gather @!p1 [hbm4b:s17+s19], s18, s21, s19, $0x38;
	[tilespmem:$0x10100] =	vst v63  }
0x3e: {  	p1 =	sge.u32 s31, s6  }
.Ltmp2:
0x3f: {  	_ = 	snop;
	(pc) =	sbr.rel @p1 .LBB1_5-.Ltmp2, $1  }
0x40: {  	_ =	sdelay $0x3  }
0x41: {  	p1 =	sgt.s32 s15, $0x2B4;
	s17 =	smov.u32 s15;
	s18 =	sshra.s32 s15, $0x1F  }
0x42: {  	s17 =	simm.s32 @!p1 $0x2B4;
	s18 =	sand.u32 s18, s15  }
0x43: {  	s17 =	ssub.s32 s17, s18  }
0x44: {  	p2 =	sgt.s32 s16, $0x3;
	s19 =	sshra.s32 s16, $0x1F;
	s18 =	sadd.s32 $0xFFFFFD4C, s17  }
0x45: {  	s20 =	sshra.s32 s14, $0x1F;
	p1 =	sgt.s32 s18, $0x7F;
	s18 =	smov.u32 s16  }
0x46: {  	s19 =	sand.u32 s19, s16;
	s20 =	sand.u32 s20, s14;
	s18 =	simm.s32 @!p2 $0x3  }
0x47: {  	p2 =	sgt.s32 s14, $0xF80;
	s18 =	ssub.s32 s18, s19;
	s19 =	smov.u32 s14  }
0x48: {  	s17 =	ssub.s32 $0x334, s17;
	s21 =	sadd.s32 $0xFFFFFFFD, s18;
	s19 =	simm.s32 @!p2 $0xF80  }
0x49: {  	s18 =	ssub.s32 $0x4, s18;
	p2 =	sgt.s32 s21, $0x0;
	s19 =	ssub.s32 s19, s20  }
0x4a: {  	s17 =	simm.s32 @p1 $0x0;
	s18 =	simm.s32 @p2 $0x0;
	s20 =	sadd.s32 $0xFFFFF080, s19  }
0x4b: {  	s17 =	smul.u32 s17, s18;
	p1 =	sgt.s32 s20, $0x7F;
	s18 =	ssub.s32 $0x1000, s19  }
0x4c: {  	s18 =	simm.s32 @p1 $0x0  }
0x4d: {  	s17 =	smul.u32 s18, s17;
	_ =	sdelay $0x1  }
0x4e: {  	s18 =	simm.s32 $0x1;
	s17 =	sand.u32 $0x3FFFFFFF, s17  }
0x4f: {  	s18 =	simm.s32 @!p0 $0x0;
	_ =	swait.ge [sflag:s5], s17  }
0x50: {  	s28 =	sshll.u32 s18, $0xE;
	s17 =	ssub.s32 $0x0, s17;
	[sflag:s5] =	ssyncset.done $0x0  }
0x51: {  	s29 =	sor.u32 $0x40, s28;
	[sflag:s5] =	ssyncadd.s32 s17  }
0x52: {  	s30 =	smul.u32 $0x10200, s18;
	v0 =	vld [tilespmem:s29+$0x30]  }
0x53: {  	v1 =	vld [tilespmem:s29+$0xFFFFFFD0]  }
0x54: {  	s17 =	sshrl.u32 s30, $0x2;
	v5 =	vld [tilespmem:s29+$0xFFFFFFE0]  }
0x55: {  	s18 =	sor.u32 $0x8000, s17;
	v6 =	vld [tilespmem:s29+$0xFFFFFFF0]  }
0x56: {  	s31 =	sand.u32 $0x1, s13;
	v4 =	vld [tilespmem:s29+$0x0];
	s19 =	sadd.s32 $0x0, s18  }
0x57: {  	s17 =	smul.u32 $0x10200, s31;
	v3 =	vld [tilespmem:s29+$0x10];
	[tilespmem:s19+$0x3870 ss:$0x81] =	vst.msk $0xffff, v0  }
0x58: {  	v2 =	vld [tilespmem:s29+$0x20];
	[tilespmem:s19+$0x810 ss:$0x81] =	vst.msk $0xffff, v1  }
0x59: {  	s20 =	sadd.s32 $0x80, s29;
	s17 =	sshrl.u32 s17, $0x2;
	v0 =	vld [tilespmem:s29+$0xFFFFFFC0];
	[tilespmem:s19+$0x1020 ss:$0x81] =	vst.msk $0xffff, v5  }
0x5a: {  	s22 =	simm.s32 $0x8;
	s21 =	simm.s32 $0x4;
	s17 =	sor.u32 $0x8000, s17;
	v1 =	vld [tilespmem:s20+$0x30];
	[tilespmem:s19+$0x1830 ss:$0x81] =	vst.msk $0xffff, v6  }
.LBB1_3:
0x5b: {  	p1 =	sne.s32 s22, $0x1FC;
	v5 =	vld [tilespmem:s20+$0xFFFFFFD0];
	[tilespmem:s19+$0x2040 ss:$0x81] =	vst.msk $0xffff, v4  }
0x5c: {  	v6 =	vld [tilespmem:s20+$0xFFFFFFE0];
	[tilespmem:s19+$0x2850 ss:$0x81] =	vst.msk $0xffff, v3  }
0x5d: {  	s23 =	sshra.s32 s21, $0x2;
	s21 =	smov.u32 s22;
	v7 =	vld [tilespmem:s20+$0xFFFFFFF0];
	[tilespmem:s19+$0x3060 ss:$0x81] =	vst.msk $0xffff, v2  }
.Ltmp3:
0x5e: {  	v4 =	vld [tilespmem:s20+$0x0];
	[tilespmem:s19+$0x0 ss:$0x81] =	vst.msk $0xffff, v0;
	s19 =	sadd.s32 s23, s18;
	(pc) =	sbr.rel @p1 .LBB1_3-.Ltmp3, $4  }
0x5f: {  	v3 =	vld [tilespmem:s20+$0x10];
	[tilespmem:s19+$0x3870 ss:$0x81] =	vst.msk $0xffff, v1  }
0x60: {  	[tilespmem:s19+$0x810 ss:$0x81] =	vst.msk $0xffff, v5;
	v2 =	vld [tilespmem:s20+$0x20]  }
0x61: {  	v0 =	vld [tilespmem:s20+$0xFFFFFFC0];
	[tilespmem:s19+$0x1020 ss:$0x81] =	vst.msk $0xffff, v6;
	s20 =	sadd.s32 $0x80, s20  }
0x62: {  	s22 =	sadd.s32 $0x4, s22;
	v1 =	vld [tilespmem:s20+$0x30];
	[tilespmem:s19+$0x1830 ss:$0x81] =	vst.msk $0xffff, v7  }
.Ltmp4:
0x63: {  	_ = 	snop;
	(pc) =	sbr.rel .LBB1_4-.Ltmp4, $1  }
0x64: {  	_ =	sdelay $0x3  }
.LBB1_6:
0x65: {  	_ =	sfence.sel $0x180000  }
0x66: {  	s2 =	simm.s32 $0x1;
	[bflag:$0x0] =	sbarrier.arrive $0xFFFF  }
0x67: {  	s31 =	simm.s32 $0x2;
	[sflag:s2] =	ssyncpa.u1 $0x1  }
0x68: {  	[sflag:s31] =	ssyncpa.u1 $0x1  }
0x69: {  	p0 =	sne.s32 s0, $0x0;
	_ =	strace $0x90000053  }
0x6a: {  	s0 =	sadd.s32 @!p0 $0x100000, s1;
	[bflag:$0x2] =	sbarrier.arrive $0xFFFF  }
0x6b: {  	[sflag:s0] =	ssyncadd.tile.s32 @!p0 $0x1;
	_ =	shalt  }
.Lfunc_end1:
_tile_overlayer_lowered:
.L_overlay_start_2:
0x6c: {  	(tag) =	ssettag $0x2  }
0x6d: {  	s0 =	rddreg [dreg:$0x0];
	s2 =	stileid.u32  }
0x6e: {  	s1 =	rddreg [dreg:$0x1];
	p0 =	sne.s32 s2, $0x0  }
0x6f: {  	s3 =	rddreg [dreg:$0x2];
	[bflag:$0x3] =	sbarrier.arrive $0xFFFF;
	s2 =	simm.s32 @!p0 $0x1C01  }
0x70: {  	[timem:s3], [sflag:s2] =	dma.local @!p0 [hbm:s0], s1  }
0x71: {  	s0 =	simm.s32 @!p0 $0x1  }
0x72: {  	_ =	swait.ge @!p0 [sflag:s0], s1  }
0x73: {  	s1 =	ssub.s32 @!p0 $0x0, s1;
	[sflag:s0] =	ssyncset.done @!p0 $0x0  }
0x74: {  	[sflag:s0] =	ssyncadd.s32 @!p0 s1  }
0x75: {  	[bflag:$0x3] =	sbarrier.arrive $0xFFFF  }
0x76: {  	_ =	shalt  }

</sc_bundles>
